<compile_context>
chip_gen: v7x
topology: tpu7x:2x2x1
jax: 0.10.2.dev20260603
libtpu: 0.0.44.dev20260713+nightly
codegen_flags: <defaults>
</compile_context>

<pallas_src>
import functools

import jax
import jax.numpy as jnp
from jax import lax
from jax.experimental import pallas as pl
from jax.experimental.pallas import tpu as pltpu
from jax.experimental.pallas import tpu_sc as plsc

B = 4096
D = 64
NCLS = 8
RBLK = 1024
NBLK = B // RBLK
KPAD = 80

NW = 32
RPW = B // NW
LANES = 16


def _mine_body(e_blk_ref, e_full_ref, lab_ref,
               dap_ref, dan_ref, mi_ref, valid_ref,
               eye_ref, cnt_ref, baug_ref):
    i = pl.program_id(0)
    e_blk = e_blk_ref[...]
    e_full = e_full_ref[...]
    lab_rowf = lab_ref[...].astype(jnp.float32)

    @pl.when(i == 0)
    def _init():
        eye0 = jnp.where(
            lax.broadcasted_iota(jnp.int32, (RBLK, RBLK), 0)
            == lax.broadcasted_iota(jnp.int32, (RBLK, RBLK), 1),
            1.0, 0.0)
        eye_ref[...] = eye0
        cnt = jnp.zeros((1, B), jnp.float32)
        for k in range(NCLS):
            is_k = jnp.where(lab_rowf == float(k), 1.0, 0.0)
            hist_k = jnp.sum(is_k, axis=1, keepdims=True)
            cnt = cnt + is_k * hist_k
        cnt_ref[...] = cnt
        iota8 = (lax.broadcasted_iota(jnp.int32, (RBLK, NCLS), 1)
                 .astype(jnp.float32))
        for cc in range(NBLK):
            rows = pl.ds(cc * RBLK, RBLK)
            lc = lax.dot_general(
                eye0, lab_ref[:, rows].astype(jnp.float32),
                (((1,), (1,)), ((), ())),
                preferred_element_type=jnp.float32)
            ec = e_full_ref[rows, :]
            sqc = jnp.sum(ec * ec, axis=1, keepdims=True)
            ohc = jnp.where(lc == iota8, 1.0, 0.0)
            baug_ref[rows, :] = jnp.concatenate(
                [ec, jnp.ones((RBLK, 1), jnp.float32), sqc, ohc,
                 jnp.zeros((RBLK, KPAD - D - 2 - NCLS), jnp.float32)],
                axis=1)

    eye = eye_ref[...]

    lab_blkf = lab_ref[:, pl.ds(i * RBLK, RBLK)].astype(jnp.float32)
    lab_colf = lax.dot_general(
        eye, lab_blkf, (((1,), (1,)), ((), ())),
        preferred_element_type=jnp.float32)

    iota8 = (lax.broadcasted_iota(jnp.int32, (RBLK, NCLS), 1)
             .astype(jnp.float32))
    oh_blk = jnp.where(lab_colf == iota8, 1024.0, 0.0)
    sq_col = jnp.sum(e_blk * e_blk, axis=1, keepdims=True)
    aaug = jnp.concatenate(
        [e_blk * -2.0, sq_col, jnp.ones((RBLK, 1), jnp.float32), oh_blk,
         jnp.zeros((RBLK, KPAD - D - 2 - NCLS), jnp.float32)], axis=1)

    S = lax.dot_general(
        aaug, baug_ref[...], (((1,), (1,)), ((), ())),
        preferred_element_type=jnp.float32)

    dap2 = jnp.max(S, axis=1, keepdims=True) - 1024.0
    dan2 = jnp.min(S, axis=1, keepdims=True)

    enc_row = (lax.broadcasted_iota(jnp.int32, (1, B), 1)
               .astype(jnp.float32) * 16.0 + lab_rowf)
    encm = jnp.min(jnp.where(S == dan2, enc_row, 65536.0),
                   axis=1, keepdims=True)
    n_lab = jnp.bitwise_and(encm.astype(jnp.int32), 15)
    mif = (lab_colf * NCLS + n_lab.astype(jnp.float32))

    cnt_col = lax.dot_general(
        eye, cnt_ref[:, pl.ds(i * RBLK, RBLK)], (((1,), (1,)), ((), ())),
        preferred_element_type=jnp.float32)
    valid = jnp.where((cnt_col >= 2.0) & (cnt_col <= float(B - 1)),
                      1.0, 0.0)
    dap = jnp.sqrt(jnp.maximum(dap2, 0.0))
    dan = jnp.sqrt(jnp.maximum(dan2, 0.0))

    def t(x):
        return lax.dot_general(x, eye, (((0,), (0,)), ((), ())),
                               preferred_element_type=jnp.float32)
    dap_ref[...] = t(dap).reshape(1, 1, RBLK)
    dan_ref[...] = t(dan).reshape(1, 1, RBLK)
    mi_ref[...] = t(mif).reshape(1, 1, RBLK).astype(jnp.int32)
    valid_ref[...] = t(valid).reshape(1, 1, RBLK)


def _mine(e, labr):
    grid = (NBLK,)
    row3 = lambda i: (i, 0, 0)
    return pl.pallas_call(
        _mine_body,
        grid=grid,
        in_specs=[
            pl.BlockSpec((RBLK, D), lambda i: (i, 0)),
            pl.BlockSpec((B, D), lambda i: (0, 0)),
            pl.BlockSpec((1, B), lambda i: (0, 0)),
        ],
        out_specs=[
            pl.BlockSpec((1, 1, RBLK), row3),
            pl.BlockSpec((1, 1, RBLK), row3),
            pl.BlockSpec((1, 1, RBLK), row3),
            pl.BlockSpec((1, 1, RBLK), row3),
        ],
        out_shape=[
            jax.ShapeDtypeStruct((NBLK, 1, RBLK), jnp.float32),
            jax.ShapeDtypeStruct((NBLK, 1, RBLK), jnp.float32),
            jax.ShapeDtypeStruct((NBLK, 1, RBLK), jnp.int32),
            jax.ShapeDtypeStruct((NBLK, 1, RBLK), jnp.float32),
        ],
        scratch_shapes=[
            pltpu.VMEM((RBLK, RBLK), jnp.float32),
            pltpu.VMEM((1, B), jnp.float32),
            pltpu.VMEM((B, KPAD), jnp.float32),
        ],
    )(e, e, labr)


@functools.cache
def _build_assemble():
  @functools.partial(
    pl.kernel,
    mesh=plsc.VectorSubcoreMesh(core_axis_name="c", subcore_axis_name="s"),
    out_type=jax.ShapeDtypeStruct((NW, 2, LANES), jnp.float32),
    scratch_types=[
        pltpu.VMEM((RPW,), jnp.int32),
        pltpu.VMEM((RPW,), jnp.float32),
        pltpu.VMEM((RPW,), jnp.float32),
        pltpu.VMEM((RPW,), jnp.float32),
        pltpu.VMEM((RPW,), jnp.float32),
        pltpu.VMEM((2, LANES), jnp.float32),
        pltpu.SemaphoreType.DMA,
        pltpu.SemaphoreType.DMA,
    ],
  )
  def _assemble(mi_hbm, dap_hbm, dan_hbm, val_hbm, marg_hbm,
                out_hbm, mi_v, marg_v, dap_v, dan_v, val_v, out_v,
                sem, sem2):
    c = lax.axis_index("c")
    s = lax.axis_index("s")
    wid = s * 2 + c
    wpb = RBLK // RPW
    blk = wid // wpb
    half = pl.ds((wid % wpb) * RPW, RPW)
    c1 = pltpu.async_copy(mi_hbm.at[blk, 0, half], mi_v, sem)
    c2 = pltpu.async_copy(dap_hbm.at[blk, 0, half], dap_v, sem)
    c3 = pltpu.async_copy(dan_hbm.at[blk, 0, half], dan_v, sem)
    c4 = pltpu.async_copy(val_hbm.at[blk, 0, half], val_v, sem)
    c1.wait(); c2.wait(); c3.wait(); c4.wait()
    pltpu.async_copy(marg_hbm.at[mi_v], marg_v, sem2).wait()
    acc = jnp.zeros((LANES,), jnp.float32)
    vacc = jnp.zeros((LANES,), jnp.float32)
    for ci in range(RPW // LANES):
        sl = pl.ds(ci * LANES, LANES)
        v = val_v[sl]
        loss = jnp.maximum(dap_v[sl] - dan_v[sl] + marg_v[sl], 0.0) * v
        acc = acc + loss
        vacc = vacc + v
    out_v[0, :] = acc
    out_v[1, :] = vacc
    pltpu.sync_copy(out_v, out_hbm.at[wid])

  return _assemble


def kernel(embeddings, labels, margin_matrix):
    labr = labels.astype(jnp.int32).reshape(1, B)
    dap, dan, mi, valid = _mine(embeddings, labr)
    parts = _build_assemble()(mi, dap, dan, valid,
                              margin_matrix.reshape(NCLS * NCLS))
    lsum = jnp.sum(parts[:, 0, :])
    vsum = jnp.sum(parts[:, 1, :])
    return lsum / jnp.maximum(vsum, 1.0)

# --- scband reference (transcript-rebuilt; emitter-appended) ---
"""Pipeline reference for scband-triplet-hard-margin-loss-81767587381280 (READ-ONLY COPY).

The authoritative reference and input builder live on the scoring server;
editing this copy changes nothing except your own understanding.
"""

import jax, jax.numpy as jnp
import numpy as np

NUM_CLASSES = 8


def setup_inputs(seed: int = 0) -> dict:
    key = jax.random.key(seed)
    k1, k2 = jax.random.split(key)
    embeddings = jax.random.normal(k1, (4096, 64), dtype=jnp.float32)
    labels = jax.random.randint(k2, (4096,), 0, NUM_CLASSES, dtype=jnp.int64)
    margin_matrix = jnp.full((NUM_CLASSES, NUM_CLASSES), 0.3, dtype=jnp.float32)
    return {"embeddings": embeddings, "labels": labels, "margin_matrix": margin_matrix}


def reference(embeddings, labels, margin_matrix):
    B = embeddings.shape[0]
    # Hard-triplet mining is done on DETACHED embeddings in the original torch code,
    # so the mined indices are constants w.r.t. gradients.
    e = jax.lax.stop_gradient(embeddings)
    sq = jnp.sum(e * e, axis=1)
    d2 = sq[:, None] + sq[None, :] - 2.0 * (e @ e.T)
    D = jnp.sqrt(jnp.maximum(d2, 0.0))
    same = labels[:, None] == labels[None, :]
    eye = jnp.eye(B, dtype=bool)
    pos_mask = same & (~eye)
    neg_mask = ~same
    # hardest positive: max distance among same-label (excluding self); first max like torch.argmax
    hard_pos = jnp.argmax(jnp.where(pos_mask, D, -jnp.inf), axis=1)
    # hardest negative: min distance among different-label; first min like torch.argmin
    hard_neg = jnp.argmin(jnp.where(neg_mask, D, jnp.inf), axis=1)
    counts = jnp.bincount(labels, length=NUM_CLASSES)
    c = counts[labels]
    valid = (c >= 2) & ((B - c) >= 1)
    anchor = embeddings
    positive = jnp.take(embeddings, hard_pos, axis=0)
    negative = jnp.take(embeddings, hard_neg, axis=0)
    n_lab = jnp.take(labels, hard_neg, axis=0)
    margins = margin_matrix[labels, n_lab]
    d_ap = jnp.linalg.norm(anchor - positive, ord=2, axis=1)
    d_an = jnp.linalg.norm(anchor - negative, ord=2, axis=1)
    loss = jnp.maximum(d_ap - d_an + margins, 0.0)
    vf = valid.astype(loss.dtype)
    denom = jnp.maximum(jnp.sum(vf), 1.0)
    return jnp.sum(loss * vf) / denom

if __name__ == "__main__":
    import jax
    _d = setup_inputs()
    print(jax.jit(kernel)(*tuple(_d.values())))

</pallas_src>

<mosaic_0001>
#map = affine_map<(d0, d1) -> (0, 0, 0)>
#map1 = affine_map<(d0, d1) -> (0)>
module attributes {stable_mosaic.version = 14 : i64} {
  func.func @_assemble(%arg0: i32, %arg1: i32, %arg2: memref<4x1x1024xi32, #tpu.memory_space<hbm>>, %arg3: memref<4x1x1024xf32, #tpu.memory_space<hbm>>, %arg4: memref<4x1x1024xf32, #tpu.memory_space<hbm>>, %arg5: memref<4x1x1024xf32, #tpu.memory_space<hbm>>, %arg6: memref<64xf32, #tpu.memory_space<hbm>>, %arg7: memref<32x2x16xf32, #tpu.memory_space<hbm>>, %arg8: memref<128xi32, #tpu.memory_space<vmem>>, %arg9: memref<128xf32, #tpu.memory_space<vmem>>, %arg10: memref<128xf32, #tpu.memory_space<vmem>>, %arg11: memref<128xf32, #tpu.memory_space<vmem>>, %arg12: memref<128xf32, #tpu.memory_space<vmem>>, %arg13: memref<2x16xf32, #tpu.memory_space<vmem>>, %arg14: memref<!tpu.dma_semaphore, #tpu.memory_space<semaphore_mem>>, %arg15: memref<!tpu.dma_semaphore, #tpu.memory_space<semaphore_mem>>) attributes {dimension_semantics = [#tpu.dimension_semantics<core_parallel>, #tpu.dimension_semantics<subcore_parallel>], iteration_bounds = array<i64: 2, 16>, scalar_prefetch = 0 : i64, scratch_operands = 8 : i64, tpu.core_type = #tpu.core_type<sc_vector_subcore>, window_params = [{transform_indices = #map}, {transform_indices = #map}, {transform_indices = #map}, {transform_indices = #map}, {transform_indices = #map1}, {transform_indices = #map}]} {
    %mul3A = arith.constant 2 : i32
    %mul3A_0 = arith.muli %arg1, %mul3A : i32
    %add3A = arith.addi %mul3A_0, %arg0 : i32
    %jit3A = arith.constant 8 : i32
    %div3A = arith.divsi %add3A, %jit3A : i32
    %sign3A = arith.constant 0 : i32
    %sign3A_1 = arith.cmpi sgt, %add3A, %sign3A : i32
    %sign3A_2 = arith.extui %sign3A_1 : i1 to i32
    %sign3A_3 = arith.constant 0 : i32
    %sign3A_4 = arith.cmpi slt, %add3A, %sign3A_3 : i32
    %sign3A_5 = arith.extui %sign3A_4 : i1 to i32
    %sign3A_6 = arith.subi %sign3A_2, %sign3A_5 : i32
    %sign3A_7 = arith.constant 0 : i32
    %sign3A_8 = arith.cmpi sgt, %jit3A, %sign3A_7 : i32
    %sign3A_9 = arith.extui %sign3A_8 : i1 to i32
    %sign3A_10 = arith.constant 0 : i32
    %sign3A_11 = arith.cmpi slt, %jit3A, %sign3A_10 : i32
    %sign3A_12 = arith.extui %sign3A_11 : i1 to i32
    %sign3A_13 = arith.subi %sign3A_9, %sign3A_12 : i32
    %ne3A = arith.cmpi ne, %sign3A_6, %sign3A_13 : i32
    %rem3A = arith.remsi %add3A, %jit3A : i32
    %ne3A_14 = arith.constant 0 : i32
    %ne3A_15 = arith.cmpi ne, %rem3A, %ne3A_14 : i32
    %and3A = arith.andi %ne3A, %ne3A_15 : i1
    %sub3A = arith.constant 1 : i32
    %sub3A_16 = arith.subi %div3A, %sub3A : i32
    %select_n3A = arith.select %and3A, %sub3A_16, %div3A : i32
    %jit3A_17 = arith.constant 8 : i32
    %eq3A = arith.constant 0 : i32
    %eq3A_18 = arith.cmpi eq, %jit3A_17, %eq3A : i32
    %jit3A_19 = arith.constant 1 : i32
    %select_n3A_20 = arith.select %eq3A_18, %jit3A_19, %jit3A_17 : i32
    %rem3A_21 = arith.remsi %add3A, %select_n3A_20 : i32
    %ne3A_22 = arith.constant 0 : i32
    %ne3A_23 = arith.cmpi ne, %rem3A_21, %ne3A_22 : i32
    %lt3A = arith.constant 0 : i32
    %lt3A_24 = arith.cmpi slt, %rem3A_21, %lt3A : i32
    %lt3A_25 = arith.constant 0 : i32
    %lt3A_26 = arith.cmpi slt, %select_n3A_20, %lt3A_25 : i32
    %ne3A_27 = arith.xori %lt3A_24, %lt3A_26 : i1
    %and3A_28 = arith.andi %ne3A_27, %ne3A_23 : i1
    %add3A_29 = arith.addi %rem3A_21, %select_n3A_20 : i32
    %select_n3A_30 = arith.select %and3A_28, %add3A_29, %rem3A_21 : i32
    %mul3A_31 = arith.constant 128 : i32
    %mul3A_32 = arith.muli %select_n3A_30, %mul3A_31 : i32
    %dma_start3A = arith.constant 0 : i32
    %dma_start3A_33 = tpu.memref_slice %arg2[%select_n3A, %dma_start3A, %mul3A_32] : memref<4x1x1024xi32, #tpu.memory_space<hbm>> -> memref<1x1x128xi32, #tpu.memory_space<hbm>>
    %dma_start3A_34 = tpu.memref_squeeze %dma_start3A_33 : memref<1x1x128xi32, #tpu.memory_space<hbm>> -> memref<128xi32, #tpu.memory_space<hbm>>
    %dma_start3A_35 = tpu.memref_slice %arg2[%select_n3A, %dma_start3A, %mul3A_32] : memref<4x1x1024xi32, #tpu.memory_space<hbm>> -> memref<1x1x128xi32, #tpu.memory_space<hbm>>
    %dma_start3A_36 = tpu.memref_squeeze %dma_start3A_35 : memref<1x1x128xi32, #tpu.memory_space<hbm>> -> memref<128xi32, #tpu.memory_space<hbm>>
    tpu.enqueue_dma source(%dma_start3A_36 : memref<128xi32, #tpu.memory_space<hbm>>) target(%arg8 : memref<128xi32, #tpu.memory_space<vmem>>) target_semaphore(%arg14 : memref<!tpu.dma_semaphore, #tpu.memory_space<semaphore_mem>>)
    %dma_start3A_37 = arith.constant 0 : i32
    %dma_start3A_38 = tpu.memref_slice %arg3[%select_n3A, %dma_start3A_37, %mul3A_32] : memref<4x1x1024xf32, #tpu.memory_space<hbm>> -> memref<1x1x128xf32, #tpu.memory_space<hbm>>
    %dma_start3A_39 = tpu.memref_squeeze %dma_start3A_38 : memref<1x1x128xf32, #tpu.memory_space<hbm>> -> memref<128xf32, #tpu.memory_space<hbm>>
    %dma_start3A_40 = tpu.memref_slice %arg3[%select_n3A, %dma_start3A_37, %mul3A_32] : memref<4x1x1024xf32, #tpu.memory_space<hbm>> -> memref<1x1x128xf32, #tpu.memory_space<hbm>>
    %dma_start3A_41 = tpu.memref_squeeze %dma_start3A_40 : memref<1x1x128xf32, #tpu.memory_space<hbm>> -> memref<128xf32, #tpu.memory_space<hbm>>
    tpu.enqueue_dma source(%dma_start3A_41 : memref<128xf32, #tpu.memory_space<hbm>>) target(%arg10 : memref<128xf32, #tpu.memory_space<vmem>>) target_semaphore(%arg14 : memref<!tpu.dma_semaphore, #tpu.memory_space<semaphore_mem>>)
    %dma_start3A_42 = arith.constant 0 : i32
    %dma_start3A_43 = tpu.memref_slice %arg4[%select_n3A, %dma_start3A_42, %mul3A_32] : memref<4x1x1024xf32, #tpu.memory_space<hbm>> -> memref<1x1x128xf32, #tpu.memory_space<hbm>>
    %dma_start3A_44 = tpu.memref_squeeze %dma_start3A_43 : memref<1x1x128xf32, #tpu.memory_space<hbm>> -> memref<128xf32, #tpu.memory_space<hbm>>
    %dma_start3A_45 = tpu.memref_slice %arg4[%select_n3A, %dma_start3A_42, %mul3A_32] : memref<4x1x1024xf32, #tpu.memory_space<hbm>> -> memref<1x1x128xf32, #tpu.memory_space<hbm>>
    %dma_start3A_46 = tpu.memref_squeeze %dma_start3A_45 : memref<1x1x128xf32, #tpu.memory_space<hbm>> -> memref<128xf32, #tpu.memory_space<hbm>>
    tpu.enqueue_dma source(%dma_start3A_46 : memref<128xf32, #tpu.memory_space<hbm>>) target(%arg11 : memref<128xf32, #tpu.memory_space<vmem>>) target_semaphore(%arg14 : memref<!tpu.dma_semaphore, #tpu.memory_space<semaphore_mem>>)
    %dma_start3A_47 = arith.constant 0 : i32
    %dma_start3A_48 = tpu.memref_slice %arg5[%select_n3A, %dma_start3A_47, %mul3A_32] : memref<4x1x1024xf32, #tpu.memory_space<hbm>> -> memref<1x1x128xf32, #tpu.memory_space<hbm>>
    %dma_start3A_49 = tpu.memref_squeeze %dma_start3A_48 : memref<1x1x128xf32, #tpu.memory_space<hbm>> -> memref<128xf32, #tpu.memory_space<hbm>>
    %dma_start3A_50 = tpu.memref_slice %arg5[%select_n3A, %dma_start3A_47, %mul3A_32] : memref<4x1x1024xf32, #tpu.memory_space<hbm>> -> memref<1x1x128xf32, #tpu.memory_space<hbm>>
    %dma_start3A_51 = tpu.memref_squeeze %dma_start3A_50 : memref<1x1x128xf32, #tpu.memory_space<hbm>> -> memref<128xf32, #tpu.memory_space<hbm>>
    tpu.enqueue_dma source(%dma_start3A_51 : memref<128xf32, #tpu.memory_space<hbm>>) target(%arg12 : memref<128xf32, #tpu.memory_space<vmem>>) target_semaphore(%arg14 : memref<!tpu.dma_semaphore, #tpu.memory_space<semaphore_mem>>)
    %dma_wait3A = arith.constant 0 : i32
    %dma_wait3A_52 = tpu.memref_slice %arg2[%select_n3A, %dma_wait3A, %mul3A_32] : memref<4x1x1024xi32, #tpu.memory_space<hbm>> -> memref<1x1x128xi32, #tpu.memory_space<hbm>>
    %dma_wait3A_53 = tpu.memref_squeeze %dma_wait3A_52 : memref<1x1x128xi32, #tpu.memory_space<hbm>> -> memref<128xi32, #tpu.memory_space<hbm>>
    %dma_wait3A_54 = tpu.memref_slice %arg2[%select_n3A, %dma_wait3A, %mul3A_32] : memref<4x1x1024xi32, #tpu.memory_space<hbm>> -> memref<1x1x128xi32, #tpu.memory_space<hbm>>
    %dma_wait3A_55 = tpu.memref_squeeze %dma_wait3A_54 : memref<1x1x128xi32, #tpu.memory_space<hbm>> -> memref<128xi32, #tpu.memory_space<hbm>>
    tpu.wait_dma2 semaphore(%arg14 : memref<!tpu.dma_semaphore, #tpu.memory_space<semaphore_mem>>) src(%dma_wait3A_55 : memref<128xi32, #tpu.memory_space<hbm>>) dst(%arg8 : memref<128xi32, #tpu.memory_space<vmem>>)
    %dma_wait3A_56 = arith.constant 0 : i32
    %dma_wait3A_57 = tpu.memref_slice %arg3[%select_n3A, %dma_wait3A_56, %mul3A_32] : memref<4x1x1024xf32, #tpu.memory_space<hbm>> -> memref<1x1x128xf32, #tpu.memory_space<hbm>>
    %dma_wait3A_58 = tpu.memref_squeeze %dma_wait3A_57 : memref<1x1x128xf32, #tpu.memory_space<hbm>> -> memref<128xf32, #tpu.memory_space<hbm>>
    %dma_wait3A_59 = tpu.memref_slice %arg3[%select_n3A, %dma_wait3A_56, %mul3A_32] : memref<4x1x1024xf32, #tpu.memory_space<hbm>> -> memref<1x1x128xf32, #tpu.memory_space<hbm>>
    %dma_wait3A_60 = tpu.memref_squeeze %dma_wait3A_59 : memref<1x1x128xf32, #tpu.memory_space<hbm>> -> memref<128xf32, #tpu.memory_space<hbm>>
    tpu.wait_dma2 semaphore(%arg14 : memref<!tpu.dma_semaphore, #tpu.memory_space<semaphore_mem>>) src(%dma_wait3A_60 : memref<128xf32, #tpu.memory_space<hbm>>) dst(%arg10 : memref<128xf32, #tpu.memory_space<vmem>>)
    %dma_wait3A_61 = arith.constant 0 : i32
    %dma_wait3A_62 = tpu.memref_slice %arg4[%select_n3A, %dma_wait3A_61, %mul3A_32] : memref<4x1x1024xf32, #tpu.memory_space<hbm>> -> memref<1x1x128xf32, #tpu.memory_space<hbm>>
    %dma_wait3A_63 = tpu.memref_squeeze %dma_wait3A_62 : memref<1x1x128xf32, #tpu.memory_space<hbm>> -> memref<128xf32, #tpu.memory_space<hbm>>
    %dma_wait3A_64 = tpu.memref_slice %arg4[%select_n3A, %dma_wait3A_61, %mul3A_32] : memref<4x1x1024xf32, #tpu.memory_space<hbm>> -> memref<1x1x128xf32, #tpu.memory_space<hbm>>
    %dma_wait3A_65 = tpu.memref_squeeze %dma_wait3A_64 : memref<1x1x128xf32, #tpu.memory_space<hbm>> -> memref<128xf32, #tpu.memory_space<hbm>>
    tpu.wait_dma2 semaphore(%arg14 : memref<!tpu.dma_semaphore, #tpu.memory_space<semaphore_mem>>) src(%dma_wait3A_65 : memref<128xf32, #tpu.memory_space<hbm>>) dst(%arg11 : memref<128xf32, #tpu.memory_space<vmem>>)
    %dma_wait3A_66 = arith.constant 0 : i32
    %dma_wait3A_67 = tpu.memref_slice %arg5[%select_n3A, %dma_wait3A_66, %mul3A_32] : memref<4x1x1024xf32, #tpu.memory_space<hbm>> -> memref<1x1x128xf32, #tpu.memory_space<hbm>>
    %dma_wait3A_68 = tpu.memref_squeeze %dma_wait3A_67 : memref<1x1x128xf32, #tpu.memory_space<hbm>> -> memref<128xf32, #tpu.memory_space<hbm>>
    %dma_wait3A_69 = tpu.memref_slice %arg5[%select_n3A, %dma_wait3A_66, %mul3A_32] : memref<4x1x1024xf32, #tpu.memory_space<hbm>> -> memref<1x1x128xf32, #tpu.memory_space<hbm>>
    %dma_wait3A_70 = tpu.memref_squeeze %dma_wait3A_69 : memref<1x1x128xf32, #tpu.memory_space<hbm>> -> memref<128xf32, #tpu.memory_space<hbm>>
    tpu.wait_dma2 semaphore(%arg14 : memref<!tpu.dma_semaphore, #tpu.memory_space<semaphore_mem>>) src(%dma_wait3A_70 : memref<128xf32, #tpu.memory_space<hbm>>) dst(%arg12 : memref<128xf32, #tpu.memory_space<vmem>>)
    %dma_start3A_71 = arith.constant 0 : i32
    %dma_start3A_72 = tpu.memref_slice %arg6[%dma_start3A_71] : memref<64xf32, #tpu.memory_space<hbm>> -> memref<64xf32, #tpu.memory_space<hbm>>
    tpu.enqueue_indirect_dma source(%dma_start3A_72 : memref<64xf32, #tpu.memory_space<hbm>>) target(%arg9 : memref<128xf32, #tpu.memory_space<vmem>>) offsets(%arg8 : memref<128xi32, #tpu.memory_space<vmem>>) semaphore(%arg15 : memref<!tpu.dma_semaphore, #tpu.memory_space<semaphore_mem>>)
    %dma_wait3A_73 = arith.constant 0 : i32
    %dma_wait3A_74 = tpu.memref_slice %arg6[%dma_wait3A_73] : memref<64xf32, #tpu.memory_space<hbm>> -> memref<64xf32, #tpu.memory_space<hbm>>
    tpu.wait_indirect_dma semaphore(%arg15 : memref<!tpu.dma_semaphore, #tpu.memory_space<semaphore_mem>>) src(%dma_wait3A_74 : memref<64xf32, #tpu.memory_space<hbm>>) dst(%arg9 : memref<128xf32, #tpu.memory_space<vmem>>)
    %broadcast_in_dim3A = arith.constant 0.000000e+00 : f32
    %broadcast_in_dim3A_75 = vector.broadcast %broadcast_in_dim3A : f32 to vector<16xf32>
    %broadcast_in_dim3A_76 = arith.constant 0.000000e+00 : f32
    %broadcast_in_dim3A_77 = vector.broadcast %broadcast_in_dim3A_76 : f32 to vector<16xf32>
    %get3A = arith.constant 0 : index
    %get3A_78 = tpu.vector_load %arg12[%get3A] {strides = array<i32>} : memref<128xf32, #tpu.memory_space<vmem>>, vector<16xf32>,
    %get3A_79 = vector.shape_cast %get3A_78 : vector<16xf32> to vector<16xf32>
    %get3A_80 = arith.constant 0 : index
    %get3A_81 = tpu.vector_load %arg10[%get3A_80] {strides = array<i32>} : memref<128xf32, #tpu.memory_space<vmem>>, vector<16xf32>,
    %get3A_82 = vector.shape_cast %get3A_81 : vector<16xf32> to vector<16xf32>
    %get3A_83 = arith.constant 0 : index
    %get3A_84 = tpu.vector_load %arg11[%get3A_83] {strides = array<i32>} : memref<128xf32, #tpu.memory_space<vmem>>, vector<16xf32>,
    %get3A_85 = vector.shape_cast %get3A_84 : vector<16xf32> to vector<16xf32>
    %sub3A_86 = arith.subf %get3A_82, %get3A_85 : vector<16xf32>
    %get3A_87 = arith.constant 0 : index
    %get3A_88 = tpu.vector_load %arg9[%get3A_87] {strides = array<i32>} : memref<128xf32, #tpu.memory_space<vmem>>, vector<16xf32>,
    %get3A_89 = vector.shape_cast %get3A_88 : vector<16xf32> to vector<16xf32>
    %add3A_90 = arith.addf %sub3A_86, %get3A_89 : vector<16xf32>
    %max3A = arith.constant 0.000000e+00 : f32
    %max3A_91 = vector.broadcast %max3A : f32 to vector<16xf32>
    %max3A_92 = arith.maximumf %add3A_90, %max3A_91 : vector<16xf32>
    %mul3A_93 = arith.mulf %max3A_92, %get3A_79 : vector<16xf32>
    %add3A_94 = arith.addf %broadcast_in_dim3A_75, %mul3A_93 : vector<16xf32>
    %add3A_95 = arith.addf %broadcast_in_dim3A_77, %get3A_79 : vector<16xf32>
    %get3A_96 = arith.constant 16 : index
    %get3A_97 = tpu.vector_load %arg12[%get3A_96] {strides = array<i32>} : memref<128xf32, #tpu.memory_space<vmem>>, vector<16xf32>,
    %get3A_98 = vector.shape_cast %get3A_97 : vector<16xf32> to vector<16xf32>
    %get3A_99 = arith.constant 16 : index
    %get3A_100 = tpu.vector_load %arg10[%get3A_99] {strides = array<i32>} : memref<128xf32, #tpu.memory_space<vmem>>, vector<16xf32>,
    %get3A_101 = vector.shape_cast %get3A_100 : vector<16xf32> to vector<16xf32>
    %get3A_102 = arith.constant 16 : index
    %get3A_103 = tpu.vector_load %arg11[%get3A_102] {strides = array<i32>} : memref<128xf32, #tpu.memory_space<vmem>>, vector<16xf32>,
    %get3A_104 = vector.shape_cast %get3A_103 : vector<16xf32> to vector<16xf32>
    %sub3A_105 = arith.subf %get3A_101, %get3A_104 : vector<16xf32>
    %get3A_106 = arith.constant 16 : index
    %get3A_107 = tpu.vector_load %arg9[%get3A_106] {strides = array<i32>} : memref<128xf32, #tpu.memory_space<vmem>>, vector<16xf32>,
    %get3A_108 = vector.shape_cast %get3A_107 : vector<16xf32> to vector<16xf32>
    %add3A_109 = arith.addf %sub3A_105, %get3A_108 : vector<16xf32>
    %max3A_110 = arith.constant 0.000000e+00 : f32
    %max3A_111 = vector.broadcast %max3A_110 : f32 to vector<16xf32>
    %max3A_112 = arith.maximumf %add3A_109, %max3A_111 : vector<16xf32>
    %mul3A_113 = arith.mulf %max3A_112, %get3A_98 : vector<16xf32>
    %add3A_114 = arith.addf %add3A_94, %mul3A_113 : vector<16xf32>
    %add3A_115 = arith.addf %add3A_95, %get3A_98 : vector<16xf32>
    %get3A_116 = arith.constant 32 : index
    %get3A_117 = tpu.vector_load %arg12[%get3A_116] {strides = array<i32>} : memref<128xf32, #tpu.memory_space<vmem>>, vector<16xf32>,
    %get3A_118 = vector.shape_cast %get3A_117 : vector<16xf32> to vector<16xf32>
    %get3A_119 = arith.constant 32 : index
    %get3A_120 = tpu.vector_load %arg10[%get3A_119] {strides = array<i32>} : memref<128xf32, #tpu.memory_space<vmem>>, vector<16xf32>,
    %get3A_121 = vector.shape_cast %get3A_120 : vector<16xf32> to vector<16xf32>
    %get3A_122 = arith.constant 32 : index
    %get3A_123 = tpu.vector_load %arg11[%get3A_122] {strides = array<i32>} : memref<128xf32, #tpu.memory_space<vmem>>, vector<16xf32>,
    %get3A_124 = vector.shape_cast %get3A_123 : vector<16xf32> to vector<16xf32>
    %sub3A_125 = arith.subf %get3A_121, %get3A_124 : vector<16xf32>
    %get3A_126 = arith.constant 32 : index
    %get3A_127 = tpu.vector_load %arg9[%get3A_126] {strides = array<i32>} : memref<128xf32, #tpu.memory_space<vmem>>, vector<16xf32>,
    %get3A_128 = vector.shape_cast %get3A_127 : vector<16xf32> to vector<16xf32>
    %add3A_129 = arith.addf %sub3A_125, %get3A_128 : vector<16xf32>
    %max3A_130 = arith.constant 0.000000e+00 : f32
    %max3A_131 = vector.broadcast %max3A_130 : f32 to vector<16xf32>
    %max3A_132 = arith.maximumf %add3A_129, %max3A_131 : vector<16xf32>
    %mul3A_133 = arith.mulf %max3A_132, %get3A_118 : vector<16xf32>
    %add3A_134 = arith.addf %add3A_114, %mul3A_133 : vector<16xf32>
    %add3A_135 = arith.addf %add3A_115, %get3A_118 : vector<16xf32>
    %get3A_136 = arith.constant 48 : index
    %get3A_137 = tpu.vector_load %arg12[%get3A_136] {strides = array<i32>} : memref<128xf32, #tpu.memory_space<vmem>>, vector<16xf32>,
    %get3A_138 = vector.shape_cast %get3A_137 : vector<16xf32> to vector<16xf32>
    %get3A_139 = arith.constant 48 : index
    %get3A_140 = tpu.vector_load %arg10[%get3A_139] {strides = array<i32>} : memref<128xf32, #tpu.memory_space<vmem>>, vector<16xf32>,
    %get3A_141 = vector.shape_cast %get3A_140 : vector<16xf32> to vector<16xf32>
    %get3A_142 = arith.constant 48 : index
    %get3A_143 = tpu.vector_load %arg11[%get3A_142] {strides = array<i32>} : memref<128xf32, #tpu.memory_space<vmem>>, vector<16xf32>,
    %get3A_144 = vector.shape_cast %get3A_143 : vector<16xf32> to vector<16xf32>
    %sub3A_145 = arith.subf %get3A_141, %get3A_144 : vector<16xf32>
    %get3A_146 = arith.constant 48 : index
    %get3A_147 = tpu.vector_load %arg9[%get3A_146] {strides = array<i32>} : memref<128xf32, #tpu.memory_space<vmem>>, vector<16xf32>,
    %get3A_148 = vector.shape_cast %get3A_147 : vector<16xf32> to vector<16xf32>
    %add3A_149 = arith.addf %sub3A_145, %get3A_148 : vector<16xf32>
    %max3A_150 = arith.constant 0.000000e+00 : f32
    %max3A_151 = vector.broadcast %max3A_150 : f32 to vector<16xf32>
    %max3A_152 = arith.maximumf %add3A_149, %max3A_151 : vector<16xf32>
    %mul3A_153 = arith.mulf %max3A_152, %get3A_138 : vector<16xf32>
    %add3A_154 = arith.addf %add3A_134, %mul3A_153 : vector<16xf32>
    %add3A_155 = arith.addf %add3A_135, %get3A_138 : vector<16xf32>
    %get3A_156 = arith.constant 64 : index
    %get3A_157 = tpu.vector_load %arg12[%get3A_156] {strides = array<i32>} : memref<128xf32, #tpu.memory_space<vmem>>, vector<16xf32>,
    %get3A_158 = vector.shape_cast %get3A_157 : vector<16xf32> to vector<16xf32>
    %get3A_159 = arith.constant 64 : index
    %get3A_160 = tpu.vector_load %arg10[%get3A_159] {strides = array<i32>} : memref<128xf32, #tpu.memory_space<vmem>>, vector<16xf32>,
    %get3A_161 = vector.shape_cast %get3A_160 : vector<16xf32> to vector<16xf32>
    %get3A_162 = arith.constant 64 : index
    %get3A_163 = tpu.vector_load %arg11[%get3A_162] {strides = array<i32>} : memref<128xf32, #tpu.memory_space<vmem>>, vector<16xf32>,
    %get3A_164 = vector.shape_cast %get3A_163 : vector<16xf32> to vector<16xf32>
    %sub3A_165 = arith.subf %get3A_161, %get3A_164 : vector<16xf32>
    %get3A_166 = arith.constant 64 : index
    %get3A_167 = tpu.vector_load %arg9[%get3A_166] {strides = array<i32>} : memref<128xf32, #tpu.memory_space<vmem>>, vector<16xf32>,
    %get3A_168 = vector.shape_cast %get3A_167 : vector<16xf32> to vector<16xf32>
    %add3A_169 = arith.addf %sub3A_165, %get3A_168 : vector<16xf32>
    %max3A_170 = arith.constant 0.000000e+00 : f32
    %max3A_171 = vector.broadcast %max3A_170 : f32 to vector<16xf32>
    %max3A_172 = arith.maximumf %add3A_169, %max3A_171 : vector<16xf32>
    %mul3A_173 = arith.mulf %max3A_172, %get3A_158 : vector<16xf32>
    %add3A_174 = arith.addf %add3A_154, %mul3A_173 : vector<16xf32>
    %add3A_175 = arith.addf %add3A_155, %get3A_158 : vector<16xf32>
    %get3A_176 = arith.constant 80 : index
    %get3A_177 = tpu.vector_load %arg12[%get3A_176] {strides = array<i32>} : memref<128xf32, #tpu.memory_space<vmem>>, vector<16xf32>,
    %get3A_178 = vector.shape_cast %get3A_177 : vector<16xf32> to vector<16xf32>
    %get3A_179 = arith.constant 80 : index
    %get3A_180 = tpu.vector_load %arg10[%get3A_179] {strides = array<i32>} : memref<128xf32, #tpu.memory_space<vmem>>, vector<16xf32>,
    %get3A_181 = vector.shape_cast %get3A_180 : vector<16xf32> to vector<16xf32>
    %get3A_182 = arith.constant 80 : index
    %get3A_183 = tpu.vector_load %arg11[%get3A_182] {strides = array<i32>} : memref<128xf32, #tpu.memory_space<vmem>>, vector<16xf32>,
    %get3A_184 = vector.shape_cast %get3A_183 : vector<16xf32> to vector<16xf32>
    %sub3A_185 = arith.subf %get3A_181, %get3A_184 : vector<16xf32>
    %get3A_186 = arith.constant 80 : index
    %get3A_187 = tpu.vector_load %arg9[%get3A_186] {strides = array<i32>} : memref<128xf32, #tpu.memory_space<vmem>>, vector<16xf32>,
    %get3A_188 = vector.shape_cast %get3A_187 : vector<16xf32> to vector<16xf32>
    %add3A_189 = arith.addf %sub3A_185, %get3A_188 : vector<16xf32>
    %max3A_190 = arith.constant 0.000000e+00 : f32
    %max3A_191 = vector.broadcast %max3A_190 : f32 to vector<16xf32>
    %max3A_192 = arith.maximumf %add3A_189, %max3A_191 : vector<16xf32>
    %mul3A_193 = arith.mulf %max3A_192, %get3A_178 : vector<16xf32>
    %add3A_194 = arith.addf %add3A_174, %mul3A_193 : vector<16xf32>
    %add3A_195 = arith.addf %add3A_175, %get3A_178 : vector<16xf32>
    %get3A_196 = arith.constant 96 : index
    %get3A_197 = tpu.vector_load %arg12[%get3A_196] {strides = array<i32>} : memref<128xf32, #tpu.memory_space<vmem>>, vector<16xf32>,
    %get3A_198 = vector.shape_cast %get3A_197 : vector<16xf32> to vector<16xf32>
    %get3A_199 = arith.constant 96 : index
    %get3A_200 = tpu.vector_load %arg10[%get3A_199] {strides = array<i32>} : memref<128xf32, #tpu.memory_space<vmem>>, vector<16xf32>,
    %get3A_201 = vector.shape_cast %get3A_200 : vector<16xf32> to vector<16xf32>
    %get3A_202 = arith.constant 96 : index
    %get3A_203 = tpu.vector_load %arg11[%get3A_202] {strides = array<i32>} : memref<128xf32, #tpu.memory_space<vmem>>, vector<16xf32>,
    %get3A_204 = vector.shape_cast %get3A_203 : vector<16xf32> to vector<16xf32>
    %sub3A_205 = arith.subf %get3A_201, %get3A_204 : vector<16xf32>
    %get3A_206 = arith.constant 96 : index
    %get3A_207 = tpu.vector_load %arg9[%get3A_206] {strides = array<i32>} : memref<128xf32, #tpu.memory_space<vmem>>, vector<16xf32>,
    %get3A_208 = vector.shape_cast %get3A_207 : vector<16xf32> to vector<16xf32>
    %add3A_209 = arith.addf %sub3A_205, %get3A_208 : vector<16xf32>
    %max3A_210 = arith.constant 0.000000e+00 : f32
    %max3A_211 = vector.broadcast %max3A_210 : f32 to vector<16xf32>
    %max3A_212 = arith.maximumf %add3A_209, %max3A_211 : vector<16xf32>
    %mul3A_213 = arith.mulf %max3A_212, %get3A_198 : vector<16xf32>
    %add3A_214 = arith.addf %add3A_194, %mul3A_213 : vector<16xf32>
    %add3A_215 = arith.addf %add3A_195, %get3A_198 : vector<16xf32>
    %get3A_216 = arith.constant 112 : index
    %get3A_217 = tpu.vector_load %arg12[%get3A_216] {strides = array<i32>} : memref<128xf32, #tpu.memory_space<vmem>>, vector<16xf32>,
    %get3A_218 = vector.shape_cast %get3A_217 : vector<16xf32> to vector<16xf32>
    %get3A_219 = arith.constant 112 : index
    %get3A_220 = tpu.vector_load %arg10[%get3A_219] {strides = array<i32>} : memref<128xf32, #tpu.memory_space<vmem>>, vector<16xf32>,
    %get3A_221 = vector.shape_cast %get3A_220 : vector<16xf32> to vector<16xf32>
    %get3A_222 = arith.constant 112 : index
    %get3A_223 = tpu.vector_load %arg11[%get3A_222] {strides = array<i32>} : memref<128xf32, #tpu.memory_space<vmem>>, vector<16xf32>,
    %get3A_224 = vector.shape_cast %get3A_223 : vector<16xf32> to vector<16xf32>
    %sub3A_225 = arith.subf %get3A_221, %get3A_224 : vector<16xf32>
    %get3A_226 = arith.constant 112 : index
    %get3A_227 = tpu.vector_load %arg9[%get3A_226] {strides = array<i32>} : memref<128xf32, #tpu.memory_space<vmem>>, vector<16xf32>,
    %get3A_228 = vector.shape_cast %get3A_227 : vector<16xf32> to vector<16xf32>
    %add3A_229 = arith.addf %sub3A_225, %get3A_228 : vector<16xf32>
    %max3A_230 = arith.constant 0.000000e+00 : f32
    %max3A_231 = vector.broadcast %max3A_230 : f32 to vector<16xf32>
    %max3A_232 = arith.maximumf %add3A_229, %max3A_231 : vector<16xf32>
    %mul3A_233 = arith.mulf %max3A_232, %get3A_218 : vector<16xf32>
    %add3A_234 = arith.addf %add3A_214, %mul3A_233 : vector<16xf32>
    %add3A_235 = arith.addf %add3A_215, %get3A_218 : vector<16xf32>
    %swap3A = arith.constant 0 : i32
    %swap3A_236 = arith.index_cast %swap3A : i32 to index
    %swap3A_237 = arith.constant 0 : index
    %swap3A_238 = tpu.vector_load %arg13[%swap3A_236, %swap3A_237] {strides = array<i32>} : memref<2x16xf32, #tpu.memory_space<vmem>>, vector<1x16xf32>,
    %swap3A_239 = vector.shape_cast %swap3A_238 : vector<1x16xf32> to vector<16xf32>
    %swap3A_240 = vector.shape_cast %add3A_234 : vector<16xf32> to vector<1x16xf32>
    tpu.vector_store %arg13[%swap3A_236, %swap3A_237], %swap3A_240 {strides = array<i32>} : memref<2x16xf32, #tpu.memory_space<vmem>>, vector<1x16xf32>,
    %swap3A_241 = arith.constant 1 : i32
    %swap3A_242 = arith.index_cast %swap3A_241 : i32 to index
    %swap3A_243 = arith.constant 0 : index
    %swap3A_244 = tpu.vector_load %arg13[%swap3A_242, %swap3A_243] {strides = array<i32>} : memref<2x16xf32, #tpu.memory_space<vmem>>, vector<1x16xf32>,
    %swap3A_245 = vector.shape_cast %swap3A_244 : vector<1x16xf32> to vector<16xf32>
    %swap3A_246 = vector.shape_cast %add3A_235 : vector<16xf32> to vector<1x16xf32>
    tpu.vector_store %arg13[%swap3A_242, %swap3A_243], %swap3A_246 {strides = array<i32>} : memref<2x16xf32, #tpu.memory_space<vmem>>, vector<1x16xf32>,
    "tpu.region"() ({
      %run_scoped3A = tpu.sem_alloc : memref<!tpu.dma_semaphore, #tpu.memory_space<semaphore_mem>>
      %dma_start3A_247 = arith.constant 0 : i32
      %dma_start3A_248 = arith.constant 0 : i32
      %dma_start3A_249 = tpu.memref_slice %arg7[%add3A, %dma_start3A_247, %dma_start3A_248] : memref<32x2x16xf32, #tpu.memory_space<hbm>> -> memref<1x2x16xf32, #tpu.memory_space<hbm>>
      %dma_start3A_250 = tpu.memref_squeeze %dma_start3A_249 : memref<1x2x16xf32, #tpu.memory_space<hbm>> -> memref<2x16xf32, #tpu.memory_space<hbm>>
      %dma_start3A_251 = arith.constant 0 : i32
      %dma_start3A_252 = arith.constant 0 : i32
      %dma_start3A_253 = tpu.memref_slice %arg7[%add3A, %dma_start3A_251, %dma_start3A_252] : memref<32x2x16xf32, #tpu.memory_space<hbm>> -> memref<1x2x16xf32, #tpu.memory_space<hbm>>
      %dma_start3A_254 = tpu.memref_squeeze %dma_start3A_253 : memref<1x2x16xf32, #tpu.memory_space<hbm>> -> memref<2x16xf32, #tpu.memory_space<hbm>>
      tpu.enqueue_dma source(%arg13 : memref<2x16xf32, #tpu.memory_space<vmem>>) target(%dma_start3A_254 : memref<2x16xf32, #tpu.memory_space<hbm>>) target_semaphore(%run_scoped3A : memref<!tpu.dma_semaphore, #tpu.memory_space<semaphore_mem>>)
      %dma_wait3A_255 = arith.constant 0 : i32
      %dma_wait3A_256 = arith.constant 0 : i32
      %dma_wait3A_257 = tpu.memref_slice %arg7[%add3A, %dma_wait3A_255, %dma_wait3A_256] : memref<32x2x16xf32, #tpu.memory_space<hbm>> -> memref<1x2x16xf32, #tpu.memory_space<hbm>>
      %dma_wait3A_258 = tpu.memref_squeeze %dma_wait3A_257 : memref<1x2x16xf32, #tpu.memory_space<hbm>> -> memref<2x16xf32, #tpu.memory_space<hbm>>
      %dma_wait3A_259 = arith.constant 0 : i32
      %dma_wait3A_260 = arith.constant 0 : i32
      %dma_wait3A_261 = tpu.memref_slice %arg7[%add3A, %dma_wait3A_259, %dma_wait3A_260] : memref<32x2x16xf32, #tpu.memory_space<hbm>> -> memref<1x2x16xf32, #tpu.memory_space<hbm>>
      %dma_wait3A_262 = tpu.memref_squeeze %dma_wait3A_261 : memref<1x2x16xf32, #tpu.memory_space<hbm>> -> memref<2x16xf32, #tpu.memory_space<hbm>>
      tpu.wait_dma2 semaphore(%run_scoped3A : memref<!tpu.dma_semaphore, #tpu.memory_space<semaphore_mem>>) src(%arg13 : memref<2x16xf32, #tpu.memory_space<vmem>>) dst(%dma_wait3A_262 : memref<2x16xf32, #tpu.memory_space<hbm>>)
      tpu.yield
    }) : () -> ()
    return
  }
}

module attributes {stable_mosaic.version = 14 : i64} {
  func.func @_mine_body(%arg0: i32, %arg1: memref<1024x64xf32, #tpu.memory_space<vmem>>, %arg2: memref<4096x64xf32, #tpu.memory_space<vmem>>, %arg3: memref<1x4096xi32, #tpu.memory_space<vmem>>, %arg4: memref<1x1x1024xf32, #tpu.memory_space<vmem>>, %arg5: memref<1x1x1024xf32, #tpu.memory_space<vmem>>, %arg6: memref<1x1x1024xi32, #tpu.memory_space<vmem>>, %arg7: memref<1x1x1024xf32, #tpu.memory_space<vmem>>, %arg8: memref<1024x1024xf32, #tpu.memory_space<vmem>>, %arg9: memref<1x4096xf32, #tpu.memory_space<vmem>>, %arg10: memref<4096x80xf32, #tpu.memory_space<vmem>>) attributes {dimension_semantics = [#tpu.dimension_semantics<arbitrary>], iteration_bounds = array<i64: 4>, scalar_prefetch = 0 : i64, scratch_operands = 3 : i64, tpu.core_type = #tpu.core_type<tc>, window_params = [{transform_indices = @transform_0, window_bounds = array<i64: 1024, 64>}, {pipeline_mode = #tpu.pipeline_mode<synchronous>, transform_indices = @transform_1, window_bounds = array<i64: 4096, 64>}, {pipeline_mode = #tpu.pipeline_mode<synchronous>, transform_indices = @transform_2, window_bounds = array<i64: 1, 4096>}, {transform_indices = @transform_3, window_bounds = array<i64: 1, 1, 1024>}, {transform_indices = @transform_4, window_bounds = array<i64: 1, 1, 1024>}, {transform_indices = @transform_5, window_bounds = array<i64: 1, 1, 1024>}, {transform_indices = @transform_6, window_bounds = array<i64: 1, 1, 1024>}]} {
    %get3A = arith.constant 0 : index
    %get3A_0 = arith.constant 0 : index
    %get3A_1 = vector.load %arg1[%get3A, %get3A_0] : memref<1024x64xf32, #tpu.memory_space<vmem>>, vector<1024x64xf32>
    %get3A_2 = arith.constant 0 : index
    %get3A_3 = arith.constant 0 : index
    %get3A_4 = vector.load %arg3[%get3A_2, %get3A_3] : memref<1x4096xi32, #tpu.memory_space<vmem>>, vector<1x4096xi32>
    %convert_element_type3A = arith.sitofp %get3A_4 : vector<1x4096xi32> to vector<1x4096xf32>
    %eq3A = arith.constant 0 : i32
    %eq3A_5 = arith.cmpi eq, %arg0, %eq3A : i32
    %convert_element_type3A_6 = arith.extui %eq3A_5 : i1 to i32
    %cond3A = arith.constant 0 : i32
    %cond3A_7 = arith.cmpi ne, %convert_element_type3A_6, %cond3A : i32
    scf.if %cond3A_7 {
      %iota3A_116 = tpu.iota {dimensions = array<i32: 0>} : vector<1024x1024xi32>
      %iota3A_117 = tpu.iota {dimensions = array<i32: 1>} : vector<1024x1024xi32>
      %eq3A_118 = arith.cmpi eq, %iota3A_116, %iota3A_117 : vector<1024x1024xi32>
      %jit3A_119 = arith.constant 1.000000e+00 : f32
      %jit3A_120 = arith.constant 0.000000e+00 : f32
      %broadcast_in_dim3A_121 = vector.broadcast %jit3A_119 : f32 to vector<1024x1024xf32>
      %broadcast_in_dim3A_122 = vector.broadcast %jit3A_120 : f32 to vector<1024x1024xf32>
      %select_n3A_123 = arith.select %eq3A_118, %broadcast_in_dim3A_121, %broadcast_in_dim3A_122 : vector<1024x1024xi1>, vector<1024x1024xf32>
      %swap3A_124 = arith.constant 0 : index
      %swap3A_125 = arith.constant 0 : index
      %swap3A_126 = vector.load %arg8[%swap3A_124, %swap3A_125] : memref<1024x1024xf32, #tpu.memory_space<vmem>>, vector<1024x1024xf32>
      tpu.vector_store %arg8[%swap3A_124, %swap3A_125], %select_n3A_123 {strides = array<i32>} : memref<1024x1024xf32, #tpu.memory_space<vmem>>, vector<1024x1024xf32>,
      %broadcast_in_dim3A_127 = arith.constant 0.000000e+00 : f32
      %broadcast_in_dim3A_128 = vector.broadcast %broadcast_in_dim3A_127 : f32 to vector<1x4096xf32>
      %eq3A_129 = arith.constant 0.000000e+00 : f32
      %eq3A_130 = vector.broadcast %eq3A_129 : f32 to vector<1x4096xf32>
      %eq3A_131 = arith.cmpf oeq, %convert_element_type3A, %eq3A_130 : vector<1x4096xf32>
      %jit3A_132 = arith.constant 1.000000e+00 : f32
      %jit3A_133 = arith.constant 0.000000e+00 : f32
      %broadcast_in_dim3A_134 = vector.broadcast %jit3A_132 : f32 to vector<1x4096xf32>
      %broadcast_in_dim3A_135 = vector.broadcast %jit3A_133 : f32 to vector<1x4096xf32>
      %select_n3A_136 = arith.select %eq3A_131, %broadcast_in_dim3A_134, %broadcast_in_dim3A_135 : vector<1x4096xi1>, vector<1x4096xf32>
      %reduce_sum3A_137 = arith.constant dense<0.000000e+00> : vector<1xf32>
      %reduce_sum3A_138 = vector.multi_reduction <add>, %select_n3A_136, %reduce_sum3A_137 [1] : vector<1x4096xf32> to vector<1xf32>
      %broadcast_in_dim3A_139 = vector.shape_cast %reduce_sum3A_138 : vector<1xf32> to vector<1x1xf32>
      %mul3A_140 = vector.broadcast %broadcast_in_dim3A_139 : vector<1x1xf32> to vector<1x4096xf32>
      %mul3A_141 = arith.mulf %select_n3A_136, %mul3A_140 : vector<1x4096xf32>
      %add3A_142 = arith.addf %broadcast_in_dim3A_128, %mul3A_141 : vector<1x4096xf32>
      %eq3A_143 = arith.constant 1.000000e+00 : f32
      %eq3A_144 = vector.broadcast %eq3A_143 : f32 to vector<1x4096xf32>
      %eq3A_145 = arith.cmpf oeq, %convert_element_type3A, %eq3A_144 : vector<1x4096xf32>
      %jit3A_146 = arith.constant 1.000000e+00 : f32
      %jit3A_147 = arith.constant 0.000000e+00 : f32
      %broadcast_in_dim3A_148 = vector.broadcast %jit3A_146 : f32 to vector<1x4096xf32>
      %broadcast_in_dim3A_149 = vector.broadcast %jit3A_147 : f32 to vector<1x4096xf32>
      %select_n3A_150 = arith.select %eq3A_145, %broadcast_in_dim3A_148, %broadcast_in_dim3A_149 : vector<1x4096xi1>, vector<1x4096xf32>
      %reduce_sum3A_151 = arith.constant dense<0.000000e+00> : vector<1xf32>
      %reduce_sum3A_152 = vector.multi_reduction <add>, %select_n3A_150, %reduce_sum3A_151 [1] : vector<1x4096xf32> to vector<1xf32>
      %broadcast_in_dim3A_153 = vector.shape_cast %reduce_sum3A_152 : vector<1xf32> to vector<1x1xf32>
      %mul3A_154 = vector.broadcast %broadcast_in_dim3A_153 : vector<1x1xf32> to vector<1x4096xf32>
      %mul3A_155 = arith.mulf %select_n3A_150, %mul3A_154 : vector<1x4096xf32>
      %add3A_156 = arith.addf %add3A_142, %mul3A_155 : vector<1x4096xf32>
      %eq3A_157 = arith.constant 2.000000e+00 : f32
      %eq3A_158 = vector.broadcast %eq3A_157 : f32 to vector<1x4096xf32>
      %eq3A_159 = arith.cmpf oeq, %convert_element_type3A, %eq3A_158 : vector<1x4096xf32>
      %jit3A_160 = arith.constant 1.000000e+00 : f32
      %jit3A_161 = arith.constant 0.000000e+00 : f32
      %broadcast_in_dim3A_162 = vector.broadcast %jit3A_160 : f32 to vector<1x4096xf32>
      %broadcast_in_dim3A_163 = vector.broadcast %jit3A_161 : f32 to vector<1x4096xf32>
      %select_n3A_164 = arith.select %eq3A_159, %broadcast_in_dim3A_162, %broadcast_in_dim3A_163 : vector<1x4096xi1>, vector<1x4096xf32>
      %reduce_sum3A_165 = arith.constant dense<0.000000e+00> : vector<1xf32>
      %reduce_sum3A_166 = vector.multi_reduction <add>, %select_n3A_164, %reduce_sum3A_165 [1] : vector<1x4096xf32> to vector<1xf32>
      %broadcast_in_dim3A_167 = vector.shape_cast %reduce_sum3A_166 : vector<1xf32> to vector<1x1xf32>
      %mul3A_168 = vector.broadcast %broadcast_in_dim3A_167 : vector<1x1xf32> to vector<1x4096xf32>
      %mul3A_169 = arith.mulf %select_n3A_164, %mul3A_168 : vector<1x4096xf32>
      %add3A_170 = arith.addf %add3A_156, %mul3A_169 : vector<1x4096xf32>
      %eq3A_171 = arith.constant 3.000000e+00 : f32
      %eq3A_172 = vector.broadcast %eq3A_171 : f32 to vector<1x4096xf32>
      %eq3A_173 = arith.cmpf oeq, %convert_element_type3A, %eq3A_172 : vector<1x4096xf32>
      %jit3A_174 = arith.constant 1.000000e+00 : f32
      %jit3A_175 = arith.constant 0.000000e+00 : f32
      %broadcast_in_dim3A_176 = vector.broadcast %jit3A_174 : f32 to vector<1x4096xf32>
      %broadcast_in_dim3A_177 = vector.broadcast %jit3A_175 : f32 to vector<1x4096xf32>
      %select_n3A_178 = arith.select %eq3A_173, %broadcast_in_dim3A_176, %broadcast_in_dim3A_177 : vector<1x4096xi1>, vector<1x4096xf32>
      %reduce_sum3A_179 = arith.constant dense<0.000000e+00> : vector<1xf32>
      %reduce_sum3A_180 = vector.multi_reduction <add>, %select_n3A_178, %reduce_sum3A_179 [1] : vector<1x4096xf32> to vector<1xf32>
      %broadcast_in_dim3A_181 = vector.shape_cast %reduce_sum3A_180 : vector<1xf32> to vector<1x1xf32>
      %mul3A_182 = vector.broadcast %broadcast_in_dim3A_181 : vector<1x1xf32> to vector<1x4096xf32>
      %mul3A_183 = arith.mulf %select_n3A_178, %mul3A_182 : vector<1x4096xf32>
      %add3A_184 = arith.addf %add3A_170, %mul3A_183 : vector<1x4096xf32>
      %eq3A_185 = arith.constant 4.000000e+00 : f32
      %eq3A_186 = vector.broadcast %eq3A_185 : f32 to vector<1x4096xf32>
      %eq3A_187 = arith.cmpf oeq, %convert_element_type3A, %eq3A_186 : vector<1x4096xf32>
      %jit3A_188 = arith.constant 1.000000e+00 : f32
      %jit3A_189 = arith.constant 0.000000e+00 : f32
      %broadcast_in_dim3A_190 = vector.broadcast %jit3A_188 : f32 to vector<1x4096xf32>
      %broadcast_in_dim3A_191 = vector.broadcast %jit3A_189 : f32 to vector<1x4096xf32>
      %select_n3A_192 = arith.select %eq3A_187, %broadcast_in_dim3A_190, %broadcast_in_dim3A_191 : vector<1x4096xi1>, vector<1x4096xf32>
      %reduce_sum3A_193 = arith.constant dense<0.000000e+00> : vector<1xf32>
      %reduce_sum3A_194 = vector.multi_reduction <add>, %select_n3A_192, %reduce_sum3A_193 [1] : vector<1x4096xf32> to vector<1xf32>
      %broadcast_in_dim3A_195 = vector.shape_cast %reduce_sum3A_194 : vector<1xf32> to vector<1x1xf32>
      %mul3A_196 = vector.broadcast %broadcast_in_dim3A_195 : vector<1x1xf32> to vector<1x4096xf32>
      %mul3A_197 = arith.mulf %select_n3A_192, %mul3A_196 : vector<1x4096xf32>
      %add3A_198 = arith.addf %add3A_184, %mul3A_197 : vector<1x4096xf32>
      %eq3A_199 = arith.constant 5.000000e+00 : f32
      %eq3A_200 = vector.broadcast %eq3A_199 : f32 to vector<1x4096xf32>
      %eq3A_201 = arith.cmpf oeq, %convert_element_type3A, %eq3A_200 : vector<1x4096xf32>
      %jit3A_202 = arith.constant 1.000000e+00 : f32
      %jit3A_203 = arith.constant 0.000000e+00 : f32
      %broadcast_in_dim3A_204 = vector.broadcast %jit3A_202 : f32 to vector<1x4096xf32>
      %broadcast_in_dim3A_205 = vector.broadcast %jit3A_203 : f32 to vector<1x4096xf32>
      %select_n3A_206 = arith.select %eq3A_201, %broadcast_in_dim3A_204, %broadcast_in_dim3A_205 : vector<1x4096xi1>, vector<1x4096xf32>
      %reduce_sum3A_207 = arith.constant dense<0.000000e+00> : vector<1xf32>
      %reduce_sum3A_208 = vector.multi_reduction <add>, %select_n3A_206, %reduce_sum3A_207 [1] : vector<1x4096xf32> to vector<1xf32>
      %broadcast_in_dim3A_209 = vector.shape_cast %reduce_sum3A_208 : vector<1xf32> to vector<1x1xf32>
      %mul3A_210 = vector.broadcast %broadcast_in_dim3A_209 : vector<1x1xf32> to vector<1x4096xf32>
      %mul3A_211 = arith.mulf %select_n3A_206, %mul3A_210 : vector<1x4096xf32>
      %add3A_212 = arith.addf %add3A_198, %mul3A_211 : vector<1x4096xf32>
      %eq3A_213 = arith.constant 6.000000e+00 : f32
      %eq3A_214 = vector.broadcast %eq3A_213 : f32 to vector<1x4096xf32>
      %eq3A_215 = arith.cmpf oeq, %convert_element_type3A, %eq3A_214 : vector<1x4096xf32>
      %jit3A_216 = arith.constant 1.000000e+00 : f32
      %jit3A_217 = arith.constant 0.000000e+00 : f32
      %broadcast_in_dim3A_218 = vector.broadcast %jit3A_216 : f32 to vector<1x4096xf32>
      %broadcast_in_dim3A_219 = vector.broadcast %jit3A_217 : f32 to vector<1x4096xf32>
      %select_n3A_220 = arith.select %eq3A_215, %broadcast_in_dim3A_218, %broadcast_in_dim3A_219 : vector<1x4096xi1>, vector<1x4096xf32>
      %reduce_sum3A_221 = arith.constant dense<0.000000e+00> : vector<1xf32>
      %reduce_sum3A_222 = vector.multi_reduction <add>, %select_n3A_220, %reduce_sum3A_221 [1] : vector<1x4096xf32> to vector<1xf32>
      %broadcast_in_dim3A_223 = vector.shape_cast %reduce_sum3A_222 : vector<1xf32> to vector<1x1xf32>
      %mul3A_224 = vector.broadcast %broadcast_in_dim3A_223 : vector<1x1xf32> to vector<1x4096xf32>
      %mul3A_225 = arith.mulf %select_n3A_220, %mul3A_224 : vector<1x4096xf32>
      %add3A_226 = arith.addf %add3A_212, %mul3A_225 : vector<1x4096xf32>
      %eq3A_227 = arith.constant 7.000000e+00 : f32
      %eq3A_228 = vector.broadcast %eq3A_227 : f32 to vector<1x4096xf32>
      %eq3A_229 = arith.cmpf oeq, %convert_element_type3A, %eq3A_228 : vector<1x4096xf32>
      %jit3A_230 = arith.constant 1.000000e+00 : f32
      %jit3A_231 = arith.constant 0.000000e+00 : f32
      %broadcast_in_dim3A_232 = vector.broadcast %jit3A_230 : f32 to vector<1x4096xf32>
      %broadcast_in_dim3A_233 = vector.broadcast %jit3A_231 : f32 to vector<1x4096xf32>
      %select_n3A_234 = arith.select %eq3A_229, %broadcast_in_dim3A_232, %broadcast_in_dim3A_233 : vector<1x4096xi1>, vector<1x4096xf32>
      %reduce_sum3A_235 = arith.constant dense<0.000000e+00> : vector<1xf32>
      %reduce_sum3A_236 = vector.multi_reduction <add>, %select_n3A_234, %reduce_sum3A_235 [1] : vector<1x4096xf32> to vector<1xf32>
      %broadcast_in_dim3A_237 = vector.shape_cast %reduce_sum3A_236 : vector<1xf32> to vector<1x1xf32>
      %mul3A_238 = vector.broadcast %broadcast_in_dim3A_237 : vector<1x1xf32> to vector<1x4096xf32>
      %mul3A_239 = arith.mulf %select_n3A_234, %mul3A_238 : vector<1x4096xf32>
      %add3A_240 = arith.addf %add3A_226, %mul3A_239 : vector<1x4096xf32>
      %swap3A_241 = arith.constant 0 : index
      %swap3A_242 = arith.constant 0 : index
      %swap3A_243 = vector.load %arg9[%swap3A_241, %swap3A_242] : memref<1x4096xf32, #tpu.memory_space<vmem>>, vector<1x4096xf32>
      tpu.vector_store %arg9[%swap3A_241, %swap3A_242], %add3A_240 {strides = array<i32>} : memref<1x4096xf32, #tpu.memory_space<vmem>>, vector<1x4096xf32>,
      %iota3A_244 = tpu.iota {dimensions = array<i32: 1>} : vector<1024x8xi32>
      %convert_element_type3A_245 = arith.sitofp %iota3A_244 : vector<1024x8xi32> to vector<1024x8xf32>
      %get3A_246 = arith.constant 0 : index
      %get3A_247 = arith.constant 0 : index
      %get3A_248 = vector.load %arg3[%get3A_246, %get3A_247] : memref<1x4096xi32, #tpu.memory_space<vmem>>, vector<1x1024xi32>
      %convert_element_type3A_249 = arith.sitofp %get3A_248 : vector<1x1024xi32> to vector<1x1024xf32>
      %dot_general3A_250 = arith.constant dense<0.000000e+00> : vector<1024x1xf32>
      %dot_general3A_251 = tpu.matmul %select_n3A_123, %convert_element_type3A_249, %dot_general3A_250 {dimension_numbers = #tpu.dot_dimension_numbers<[1], [1], [0], [0], [0, 0, 1, 0], [], []>, transpose_lhs_hint = false} : vector<1024x1024xf32>, vector<1x1024xf32>, vector<1024x1xf32> -> vector<1024x1xf32>
      %get3A_252 = arith.constant 0 : index
      %get3A_253 = arith.constant 0 : index
      %get3A_254 = vector.load %arg2[%get3A_252, %get3A_253] : memref<4096x64xf32, #tpu.memory_space<vmem>>, vector<1024x64xf32>
      %mul3A_255 = arith.mulf %get3A_254, %get3A_254 : vector<1024x64xf32>
      %reduce_sum3A_256 = arith.constant dense<0.000000e+00> : vector<1024xf32>
      %reduce_sum3A_257 = vector.multi_reduction <add>, %mul3A_255, %reduce_sum3A_256 [1] : vector<1024x64xf32> to vector<1024xf32>
      %broadcast_in_dim3A_258 = vector.shape_cast %reduce_sum3A_257 : vector<1024xf32> to vector<1024x1xf32>
      %eq3A_259 = vector.broadcast %dot_general3A_251 : vector<1024x1xf32> to vector<1024x8xf32>
      %eq3A_260 = arith.cmpf oeq, %eq3A_259, %convert_element_type3A_245 : vector<1024x8xf32>
      %jit3A_261 = arith.constant 1.000000e+00 : f32
      %jit3A_262 = arith.constant 0.000000e+00 : f32
      %broadcast_in_dim3A_263 = vector.broadcast %jit3A_261 : f32 to vector<1024x8xf32>
      %broadcast_in_dim3A_264 = vector.broadcast %jit3A_262 : f32 to vector<1024x8xf32>
      %select_n3A_265 = arith.select %eq3A_260, %broadcast_in_dim3A_263, %broadcast_in_dim3A_264 : vector<1024x8xi1>, vector<1024x8xf32>
      %broadcast_in_dim3A_266 = arith.constant 1.000000e+00 : f32
      %broadcast_in_dim3A_267 = vector.broadcast %broadcast_in_dim3A_266 : f32 to vector<1024x1xf32>
      %broadcast_in_dim3A_268 = arith.constant 0.000000e+00 : f32
      %broadcast_in_dim3A_269 = vector.broadcast %broadcast_in_dim3A_268 : f32 to vector<1024x6xf32>
      %concatenate3A_270 = tpu.concatenate %get3A_254, %broadcast_in_dim3A_267, %broadcast_in_dim3A_258, %select_n3A_265, %broadcast_in_dim3A_269 in 1 : vector<1024x64xf32>, vector<1024x1xf32>, vector<1024x1xf32>, vector<1024x8xf32>, vector<1024x6xf32> -> vector<1024x80xf32>
      %swap3A_271 = arith.constant 0 : index
      %swap3A_272 = arith.constant 0 : index
      %swap3A_273 = vector.load %arg10[%swap3A_271, %swap3A_272] : memref<4096x80xf32, #tpu.memory_space<vmem>>, vector<1024x80xf32>
      tpu.vector_store %arg10[%swap3A_271, %swap3A_272], %concatenate3A_270 {strides = array<i32>} : memref<4096x80xf32, #tpu.memory_space<vmem>>, vector<1024x80xf32>,
      %get3A_274 = arith.constant 0 : index
      %get3A_275 = arith.constant 1024 : index
      %get3A_276 = vector.load %arg3[%get3A_274, %get3A_275] : memref<1x4096xi32, #tpu.memory_space<vmem>>, vector<1x1024xi32>
      %convert_element_type3A_277 = arith.sitofp %get3A_276 : vector<1x1024xi32> to vector<1x1024xf32>
      %dot_general3A_278 = arith.constant dense<0.000000e+00> : vector<1024x1xf32>
      %dot_general3A_279 = tpu.matmul %select_n3A_123, %convert_element_type3A_277, %dot_general3A_278 {dimension_numbers = #tpu.dot_dimension_numbers<[1], [1], [0], [0], [0, 0, 1, 0], [], []>, transpose_lhs_hint = false} : vector<1024x1024xf32>, vector<1x1024xf32>, vector<1024x1xf32> -> vector<1024x1xf32>
      %get3A_280 = arith.constant 1024 : index
      %get3A_281 = arith.constant 0 : index
      %get3A_282 = vector.load %arg2[%get3A_280, %get3A_281] : memref<4096x64xf32, #tpu.memory_space<vmem>>, vector<1024x64xf32>
      %mul3A_283 = arith.mulf %get3A_282, %get3A_282 : vector<1024x64xf32>
      %reduce_sum3A_284 = arith.constant dense<0.000000e+00> : vector<1024xf32>
      %reduce_sum3A_285 = vector.multi_reduction <add>, %mul3A_283, %reduce_sum3A_284 [1] : vector<1024x64xf32> to vector<1024xf32>
      %broadcast_in_dim3A_286 = vector.shape_cast %reduce_sum3A_285 : vector<1024xf32> to vector<1024x1xf32>
      %eq3A_287 = vector.broadcast %dot_general3A_279 : vector<1024x1xf32> to vector<1024x8xf32>
      %eq3A_288 = arith.cmpf oeq, %eq3A_287, %convert_element_type3A_245 : vector<1024x8xf32>
      %jit3A_289 = arith.constant 1.000000e+00 : f32
      %jit3A_290 = arith.constant 0.000000e+00 : f32
      %broadcast_in_dim3A_291 = vector.broadcast %jit3A_289 : f32 to vector<1024x8xf32>
      %broadcast_in_dim3A_292 = vector.broadcast %jit3A_290 : f32 to vector<1024x8xf32>
      %select_n3A_293 = arith.select %eq3A_288, %broadcast_in_dim3A_291, %broadcast_in_dim3A_292 : vector<1024x8xi1>, vector<1024x8xf32>
      %broadcast_in_dim3A_294 = arith.constant 1.000000e+00 : f32
      %broadcast_in_dim3A_295 = vector.broadcast %broadcast_in_dim3A_294 : f32 to vector<1024x1xf32>
      %broadcast_in_dim3A_296 = arith.constant 0.000000e+00 : f32
      %broadcast_in_dim3A_297 = vector.broadcast %broadcast_in_dim3A_296 : f32 to vector<1024x6xf32>
      %concatenate3A_298 = tpu.concatenate %get3A_282, %broadcast_in_dim3A_295, %broadcast_in_dim3A_286, %select_n3A_293, %broadcast_in_dim3A_297 in 1 : vector<1024x64xf32>, vector<1024x1xf32>, vector<1024x1xf32>, vector<1024x8xf32>, vector<1024x6xf32> -> vector<1024x80xf32>
      %swap3A_299 = arith.constant 1024 : index
      %swap3A_300 = arith.constant 0 : index
      %swap3A_301 = vector.load %arg10[%swap3A_299, %swap3A_300] : memref<4096x80xf32, #tpu.memory_space<vmem>>, vector<1024x80xf32>
      tpu.vector_store %arg10[%swap3A_299, %swap3A_300], %concatenate3A_298 {strides = array<i32>} : memref<4096x80xf32, #tpu.memory_space<vmem>>, vector<1024x80xf32>,
      %get3A_302 = arith.constant 0 : index
      %get3A_303 = arith.constant 2048 : index
      %get3A_304 = vector.load %arg3[%get3A_302, %get3A_303] : memref<1x4096xi32, #tpu.memory_space<vmem>>, vector<1x1024xi32>
      %convert_element_type3A_305 = arith.sitofp %get3A_304 : vector<1x1024xi32> to vector<1x1024xf32>
      %dot_general3A_306 = arith.constant dense<0.000000e+00> : vector<1024x1xf32>
      %dot_general3A_307 = tpu.matmul %select_n3A_123, %convert_element_type3A_305, %dot_general3A_306 {dimension_numbers = #tpu.dot_dimension_numbers<[1], [1], [0], [0], [0, 0, 1, 0], [], []>, transpose_lhs_hint = false} : vector<1024x1024xf32>, vector<1x1024xf32>, vector<1024x1xf32> -> vector<1024x1xf32>
      %get3A_308 = arith.constant 2048 : index
      %get3A_309 = arith.constant 0 : index
      %get3A_310 = vector.load %arg2[%get3A_308, %get3A_309] : memref<4096x64xf32, #tpu.memory_space<vmem>>, vector<1024x64xf32>
      %mul3A_311 = arith.mulf %get3A_310, %get3A_310 : vector<1024x64xf32>
      %reduce_sum3A_312 = arith.constant dense<0.000000e+00> : vector<1024xf32>
      %reduce_sum3A_313 = vector.multi_reduction <add>, %mul3A_311, %reduce_sum3A_312 [1] : vector<1024x64xf32> to vector<1024xf32>
      %broadcast_in_dim3A_314 = vector.shape_cast %reduce_sum3A_313 : vector<1024xf32> to vector<1024x1xf32>
      %eq3A_315 = vector.broadcast %dot_general3A_307 : vector<1024x1xf32> to vector<1024x8xf32>
      %eq3A_316 = arith.cmpf oeq, %eq3A_315, %convert_element_type3A_245 : vector<1024x8xf32>
      %jit3A_317 = arith.constant 1.000000e+00 : f32
      %jit3A_318 = arith.constant 0.000000e+00 : f32
      %broadcast_in_dim3A_319 = vector.broadcast %jit3A_317 : f32 to vector<1024x8xf32>
      %broadcast_in_dim3A_320 = vector.broadcast %jit3A_318 : f32 to vector<1024x8xf32>
      %select_n3A_321 = arith.select %eq3A_316, %broadcast_in_dim3A_319, %broadcast_in_dim3A_320 : vector<1024x8xi1>, vector<1024x8xf32>
      %broadcast_in_dim3A_322 = arith.constant 1.000000e+00 : f32
      %broadcast_in_dim3A_323 = vector.broadcast %broadcast_in_dim3A_322 : f32 to vector<1024x1xf32>
      %broadcast_in_dim3A_324 = arith.constant 0.000000e+00 : f32
      %broadcast_in_dim3A_325 = vector.broadcast %broadcast_in_dim3A_324 : f32 to vector<1024x6xf32>
      %concatenate3A_326 = tpu.concatenate %get3A_310, %broadcast_in_dim3A_323, %broadcast_in_dim3A_314, %select_n3A_321, %broadcast_in_dim3A_325 in 1 : vector<1024x64xf32>, vector<1024x1xf32>, vector<1024x1xf32>, vector<1024x8xf32>, vector<1024x6xf32> -> vector<1024x80xf32>
      %swap3A_327 = arith.constant 2048 : index
      %swap3A_328 = arith.constant 0 : index
      %swap3A_329 = vector.load %arg10[%swap3A_327, %swap3A_328] : memref<4096x80xf32, #tpu.memory_space<vmem>>, vector<1024x80xf32>
      tpu.vector_store %arg10[%swap3A_327, %swap3A_328], %concatenate3A_326 {strides = array<i32>} : memref<4096x80xf32, #tpu.memory_space<vmem>>, vector<1024x80xf32>,
      %get3A_330 = arith.constant 0 : index
      %get3A_331 = arith.constant 3072 : index
      %get3A_332 = vector.load %arg3[%get3A_330, %get3A_331] : memref<1x4096xi32, #tpu.memory_space<vmem>>, vector<1x1024xi32>
      %convert_element_type3A_333 = arith.sitofp %get3A_332 : vector<1x1024xi32> to vector<1x1024xf32>
      %dot_general3A_334 = arith.constant dense<0.000000e+00> : vector<1024x1xf32>
      %dot_general3A_335 = tpu.matmul %select_n3A_123, %convert_element_type3A_333, %dot_general3A_334 {dimension_numbers = #tpu.dot_dimension_numbers<[1], [1], [0], [0], [0, 0, 1, 0], [], []>, transpose_lhs_hint = false} : vector<1024x1024xf32>, vector<1x1024xf32>, vector<1024x1xf32> -> vector<1024x1xf32>
      %get3A_336 = arith.constant 3072 : index
      %get3A_337 = arith.constant 0 : index
      %get3A_338 = vector.load %arg2[%get3A_336, %get3A_337] : memref<4096x64xf32, #tpu.memory_space<vmem>>, vector<1024x64xf32>
      %mul3A_339 = arith.mulf %get3A_338, %get3A_338 : vector<1024x64xf32>
      %reduce_sum3A_340 = arith.constant dense<0.000000e+00> : vector<1024xf32>
      %reduce_sum3A_341 = vector.multi_reduction <add>, %mul3A_339, %reduce_sum3A_340 [1] : vector<1024x64xf32> to vector<1024xf32>
      %broadcast_in_dim3A_342 = vector.shape_cast %reduce_sum3A_341 : vector<1024xf32> to vector<1024x1xf32>
      %eq3A_343 = vector.broadcast %dot_general3A_335 : vector<1024x1xf32> to vector<1024x8xf32>
      %eq3A_344 = arith.cmpf oeq, %eq3A_343, %convert_element_type3A_245 : vector<1024x8xf32>
      %jit3A_345 = arith.constant 1.000000e+00 : f32
      %jit3A_346 = arith.constant 0.000000e+00 : f32
      %broadcast_in_dim3A_347 = vector.broadcast %jit3A_345 : f32 to vector<1024x8xf32>
      %broadcast_in_dim3A_348 = vector.broadcast %jit3A_346 : f32 to vector<1024x8xf32>
      %select_n3A_349 = arith.select %eq3A_344, %broadcast_in_dim3A_347, %broadcast_in_dim3A_348 : vector<1024x8xi1>, vector<1024x8xf32>
      %broadcast_in_dim3A_350 = arith.constant 1.000000e+00 : f32
      %broadcast_in_dim3A_351 = vector.broadcast %broadcast_in_dim3A_350 : f32 to vector<1024x1xf32>
      %broadcast_in_dim3A_352 = arith.constant 0.000000e+00 : f32
      %broadcast_in_dim3A_353 = vector.broadcast %broadcast_in_dim3A_352 : f32 to vector<1024x6xf32>
      %concatenate3A_354 = tpu.concatenate %get3A_338, %broadcast_in_dim3A_351, %broadcast_in_dim3A_342, %select_n3A_349, %broadcast_in_dim3A_353 in 1 : vector<1024x64xf32>, vector<1024x1xf32>, vector<1024x1xf32>, vector<1024x8xf32>, vector<1024x6xf32> -> vector<1024x80xf32>
      %swap3A_355 = arith.constant 3072 : index
      %swap3A_356 = arith.constant 0 : index
      %swap3A_357 = vector.load %arg10[%swap3A_355, %swap3A_356] : memref<4096x80xf32, #tpu.memory_space<vmem>>, vector<1024x80xf32>
      tpu.vector_store %arg10[%swap3A_355, %swap3A_356], %concatenate3A_354 {strides = array<i32>} : memref<4096x80xf32, #tpu.memory_space<vmem>>, vector<1024x80xf32>,
    } else {
    }
    %get3A_8 = arith.constant 0 : index
    %get3A_9 = arith.constant 0 : index
    %get3A_10 = vector.load %arg8[%get3A_8, %get3A_9] : memref<1024x1024xf32, #tpu.memory_space<vmem>>, vector<1024x1024xf32>
    %mul3A = arith.constant 1024 : i32
    %mul3A_11 = arith.muli %arg0, %mul3A : i32
    %get3A_12 = arith.constant 0 : index
    %get3A_13 = arith.index_cast %mul3A_11 : i32 to index
    %get3A_14 = vector.load %arg3[%get3A_12, %get3A_13] : memref<1x4096xi32, #tpu.memory_space<vmem>>, vector<1x1024xi32>
    %convert_element_type3A_15 = arith.sitofp %get3A_14 : vector<1x1024xi32> to vector<1x1024xf32>
    %dot_general3A = arith.constant dense<0.000000e+00> : vector<1024x1xf32>
    %dot_general3A_16 = tpu.matmul %get3A_10, %convert_element_type3A_15, %dot_general3A {dimension_numbers = #tpu.dot_dimension_numbers<[1], [1], [0], [0], [0, 0, 1, 0], [], []>, transpose_lhs_hint = false} : vector<1024x1024xf32>, vector<1x1024xf32>, vector<1024x1xf32> -> vector<1024x1xf32>
    %iota3A = tpu.iota {dimensions = array<i32: 1>} : vector<1024x8xi32>
    %convert_element_type3A_17 = arith.sitofp %iota3A : vector<1024x8xi32> to vector<1024x8xf32>
    %eq3A_18 = vector.broadcast %dot_general3A_16 : vector<1024x1xf32> to vector<1024x8xf32>
    %eq3A_19 = arith.cmpf oeq, %eq3A_18, %convert_element_type3A_17 : vector<1024x8xf32>
    %jit3A = arith.constant 1.024000e+03 : f32
    %jit3A_20 = arith.constant 0.000000e+00 : f32
    %broadcast_in_dim3A = vector.broadcast %jit3A : f32 to vector<1024x8xf32>
    %broadcast_in_dim3A_21 = vector.broadcast %jit3A_20 : f32 to vector<1024x8xf32>
    %select_n3A = arith.select %eq3A_19, %broadcast_in_dim3A, %broadcast_in_dim3A_21 : vector<1024x8xi1>, vector<1024x8xf32>
    %mul3A_22 = arith.mulf %get3A_1, %get3A_1 : vector<1024x64xf32>
    %reduce_sum3A = arith.constant dense<0.000000e+00> : vector<1024xf32>
    %reduce_sum3A_23 = vector.multi_reduction <add>, %mul3A_22, %reduce_sum3A [1] : vector<1024x64xf32> to vector<1024xf32>
    %broadcast_in_dim3A_24 = vector.shape_cast %reduce_sum3A_23 : vector<1024xf32> to vector<1024x1xf32>
    %mul3A_25 = arith.constant -2.000000e+00 : f32
    %mul3A_26 = vector.broadcast %mul3A_25 : f32 to vector<1024x64xf32>
    %mul3A_27 = arith.mulf %get3A_1, %mul3A_26 : vector<1024x64xf32>
    %broadcast_in_dim3A_28 = arith.constant 1.000000e+00 : f32
    %broadcast_in_dim3A_29 = vector.broadcast %broadcast_in_dim3A_28 : f32 to vector<1024x1xf32>
    %broadcast_in_dim3A_30 = arith.constant 0.000000e+00 : f32
    %broadcast_in_dim3A_31 = vector.broadcast %broadcast_in_dim3A_30 : f32 to vector<1024x6xf32>
    %concatenate3A = tpu.concatenate %mul3A_27, %broadcast_in_dim3A_24, %broadcast_in_dim3A_29, %select_n3A, %broadcast_in_dim3A_31 in 1 : vector<1024x64xf32>, vector<1024x1xf32>, vector<1024x1xf32>, vector<1024x8xf32>, vector<1024x6xf32> -> vector<1024x80xf32>
    %get3A_32 = arith.constant 0 : index
    %get3A_33 = arith.constant 0 : index
    %get3A_34 = vector.load %arg10[%get3A_32, %get3A_33] : memref<4096x80xf32, #tpu.memory_space<vmem>>, vector<4096x80xf32>
    %dot_general3A_35 = arith.constant dense<0.000000e+00> : vector<1024x4096xf32>
    %dot_general3A_36 = tpu.matmul %concatenate3A, %get3A_34, %dot_general3A_35 {dimension_numbers = #tpu.dot_dimension_numbers<[1], [1], [0], [0], [0, 0, 1, 0], [], []>, transpose_lhs_hint = false} : vector<1024x80xf32>, vector<4096x80xf32>, vector<1024x4096xf32> -> vector<1024x4096xf32>
    %reduce_max3A = arith.constant dense<0xFF800000> : vector<1024xf32>
    %reduce_max3A_37 = vector.multi_reduction <maximumf>, %dot_general3A_36, %reduce_max3A [1] : vector<1024x4096xf32> to vector<1024xf32>
    %broadcast_in_dim3A_38 = vector.shape_cast %reduce_max3A_37 : vector<1024xf32> to vector<1024x1xf32>
    %sub3A = arith.constant 1.024000e+03 : f32
    %sub3A_39 = vector.broadcast %sub3A : f32 to vector<1024x1xf32>
    %sub3A_40 = arith.subf %broadcast_in_dim3A_38, %sub3A_39 : vector<1024x1xf32>
    %reduce_min3A = arith.constant dense<0x7F800000> : vector<1024xf32>
    %reduce_min3A_41 = vector.multi_reduction <minimumf>, %dot_general3A_36, %reduce_min3A [1] : vector<1024x4096xf32> to vector<1024xf32>
    %broadcast_in_dim3A_42 = vector.shape_cast %reduce_min3A_41 : vector<1024xf32> to vector<1024x1xf32>
    %iota3A_43 = tpu.iota {dimensions = array<i32: 1>} : vector<1x4096xi32>
    %convert_element_type3A_44 = arith.sitofp %iota3A_43 : vector<1x4096xi32> to vector<1x4096xf32>
    %mul3A_45 = arith.constant 1.600000e+01 : f32
    %mul3A_46 = vector.broadcast %mul3A_45 : f32 to vector<1x4096xf32>
    %mul3A_47 = arith.mulf %convert_element_type3A_44, %mul3A_46 : vector<1x4096xf32>
    %add3A = arith.addf %mul3A_47, %convert_element_type3A : vector<1x4096xf32>
    %eq3A_48 = vector.broadcast %broadcast_in_dim3A_42 : vector<1024x1xf32> to vector<1024x4096xf32>
    %eq3A_49 = arith.cmpf oeq, %dot_general3A_36, %eq3A_48 : vector<1024x4096xf32>
    %jit3A_50 = arith.constant 6.553600e+04 : f32
    %broadcast_in_dim3A_51 = vector.shape_cast %add3A : vector<1x4096xf32> to vector<1x4096xf32>
    %broadcast_in_dim3A_52 = vector.broadcast %broadcast_in_dim3A_51 : vector<1x4096xf32> to vector<1024x4096xf32>
    %broadcast_in_dim3A_53 = vector.broadcast %jit3A_50 : f32 to vector<1024x4096xf32>
    %select_n3A_54 = arith.select %eq3A_49, %broadcast_in_dim3A_52, %broadcast_in_dim3A_53 : vector<1024x4096xi1>, vector<1024x4096xf32>
    %reduce_min3A_55 = arith.constant dense<0x7F800000> : vector<1024xf32>
    %reduce_min3A_56 = vector.multi_reduction <minimumf>, %select_n3A_54, %reduce_min3A_55 [1] : vector<1024x4096xf32> to vector<1024xf32>
    %broadcast_in_dim3A_57 = vector.shape_cast %reduce_min3A_56 : vector<1024xf32> to vector<1024x1xf32>
    %convert_element_type3A_58 = arith.fptosi %broadcast_in_dim3A_57 : vector<1024x1xf32> to vector<1024x1xi32>
    %and3A = arith.constant 15 : i32
    %and3A_59 = vector.broadcast %and3A : i32 to vector<1024x1xi32>
    %and3A_60 = arith.andi %convert_element_type3A_58, %and3A_59 : vector<1024x1xi32>
    %mul3A_61 = arith.constant 8.000000e+00 : f32
    %mul3A_62 = vector.broadcast %mul3A_61 : f32 to vector<1024x1xf32>
    %mul3A_63 = arith.mulf %dot_general3A_16, %mul3A_62 : vector<1024x1xf32>
    %convert_element_type3A_64 = arith.sitofp %and3A_60 : vector<1024x1xi32> to vector<1024x1xf32>
    %add3A_65 = arith.addf %mul3A_63, %convert_element_type3A_64 : vector<1024x1xf32>
    %mul3A_66 = arith.constant 1024 : i32
    %mul3A_67 = arith.muli %arg0, %mul3A_66 : i32
    %get3A_68 = arith.constant 0 : index
    %get3A_69 = arith.index_cast %mul3A_67 : i32 to index
    %get3A_70 = vector.load %arg9[%get3A_68, %get3A_69] : memref<1x4096xf32, #tpu.memory_space<vmem>>, vector<1x1024xf32>
    %dot_general3A_71 = arith.constant dense<0.000000e+00> : vector<1024x1xf32>
    %dot_general3A_72 = tpu.matmul %get3A_10, %get3A_70, %dot_general3A_71 {dimension_numbers = #tpu.dot_dimension_numbers<[1], [1], [0], [0], [0, 0, 1, 0], [], []>, transpose_lhs_hint = false} : vector<1024x1024xf32>, vector<1x1024xf32>, vector<1024x1xf32> -> vector<1024x1xf32>
    %ge3A = arith.constant 2.000000e+00 : f32
    %ge3A_73 = vector.broadcast %ge3A : f32 to vector<1024x1xf32>
    %ge3A_74 = arith.cmpf oge, %dot_general3A_72, %ge3A_73 : vector<1024x1xf32>
    %le3A = arith.constant 4.095000e+03 : f32
    %le3A_75 = vector.broadcast %le3A : f32 to vector<1024x1xf32>
    %le3A_76 = arith.cmpf ole, %dot_general3A_72, %le3A_75 : vector<1024x1xf32>
    %and3A_77 = arith.andi %ge3A_74, %le3A_76 : vector<1024x1xi1>
    %jit3A_78 = arith.constant 1.000000e+00 : f32
    %jit3A_79 = arith.constant 0.000000e+00 : f32
    %broadcast_in_dim3A_80 = vector.broadcast %jit3A_78 : f32 to vector<1024x1xf32>
    %broadcast_in_dim3A_81 = vector.broadcast %jit3A_79 : f32 to vector<1024x1xf32>
    %select_n3A_82 = arith.select %and3A_77, %broadcast_in_dim3A_80, %broadcast_in_dim3A_81 : vector<1024x1xi1>, vector<1024x1xf32>
    %max3A = arith.constant 0.000000e+00 : f32
    %max3A_83 = vector.broadcast %max3A : f32 to vector<1024x1xf32>
    %max3A_84 = arith.maximumf %sub3A_40, %max3A_83 : vector<1024x1xf32>
    %sqrt3A = math.sqrt %max3A_84 : vector<1024x1xf32>
    %max3A_85 = arith.constant 0.000000e+00 : f32
    %max3A_86 = vector.broadcast %max3A_85 : f32 to vector<1024x1xf32>
    %max3A_87 = arith.maximumf %broadcast_in_dim3A_42, %max3A_86 : vector<1024x1xf32>
    %sqrt3A_88 = math.sqrt %max3A_87 : vector<1024x1xf32>
    %dot_general3A_89 = arith.constant dense<0.000000e+00> : vector<1x1024xf32>
    %dot_general3A_90 = tpu.matmul %sqrt3A, %get3A_10, %dot_general3A_89 {dimension_numbers = #tpu.dot_dimension_numbers<[0], [0], [1], [1], [0, 1, 1, 1], [], []>, transpose_lhs_hint = false} : vector<1024x1xf32>, vector<1024x1024xf32>, vector<1x1024xf32> -> vector<1x1024xf32>
    %reshape3A = vector.shape_cast %dot_general3A_90 : vector<1x1024xf32> to vector<1x1x1024xf32>
    %swap3A = arith.constant 0 : index
    %swap3A_91 = arith.constant 0 : index
    %swap3A_92 = arith.constant 0 : index
    %swap3A_93 = vector.load %arg4[%swap3A, %swap3A_91, %swap3A_92] : memref<1x1x1024xf32, #tpu.memory_space<vmem>>, vector<1x1x1024xf32>
    tpu.vector_store %arg4[%swap3A, %swap3A_91, %swap3A_92], %reshape3A {strides = array<i32>} : memref<1x1x1024xf32, #tpu.memory_space<vmem>>, vector<1x1x1024xf32>,
    %dot_general3A_94 = arith.constant dense<0.000000e+00> : vector<1x1024xf32>
    %dot_general3A_95 = tpu.matmul %sqrt3A_88, %get3A_10, %dot_general3A_94 {dimension_numbers = #tpu.dot_dimension_numbers<[0], [0], [1], [1], [0, 1, 1, 1], [], []>, transpose_lhs_hint = false} : vector<1024x1xf32>, vector<1024x1024xf32>, vector<1x1024xf32> -> vector<1x1024xf32>
    %reshape3A_96 = vector.shape_cast %dot_general3A_95 : vector<1x1024xf32> to vector<1x1x1024xf32>
    %swap3A_97 = arith.constant 0 : index
    %swap3A_98 = arith.constant 0 : index
    %swap3A_99 = arith.constant 0 : index
    %swap3A_100 = vector.load %arg5[%swap3A_97, %swap3A_98, %swap3A_99] : memref<1x1x1024xf32, #tpu.memory_space<vmem>>, vector<1x1x1024xf32>
    tpu.vector_store %arg5[%swap3A_97, %swap3A_98, %swap3A_99], %reshape3A_96 {strides = array<i32>} : memref<1x1x1024xf32, #tpu.memory_space<vmem>>, vector<1x1x1024xf32>,
    %dot_general3A_101 = arith.constant dense<0.000000e+00> : vector<1x1024xf32>
    %dot_general3A_102 = tpu.matmul %add3A_65, %get3A_10, %dot_general3A_101 {dimension_numbers = #tpu.dot_dimension_numbers<[0], [0], [1], [1], [0, 1, 1, 1], [], []>, transpose_lhs_hint = false} : vector<1024x1xf32>, vector<1024x1024xf32>, vector<1x1024xf32> -> vector<1x1024xf32>
    %reshape3A_103 = vector.shape_cast %dot_general3A_102 : vector<1x1024xf32> to vector<1x1x1024xf32>
    %convert_element_type3A_104 = arith.fptosi %reshape3A_103 : vector<1x1x1024xf32> to vector<1x1x1024xi32>
    %swap3A_105 = arith.constant 0 : index
    %swap3A_106 = arith.constant 0 : index
    %swap3A_107 = arith.constant 0 : index
    %swap3A_108 = vector.load %arg6[%swap3A_105, %swap3A_106, %swap3A_107] : memref<1x1x1024xi32, #tpu.memory_space<vmem>>, vector<1x1x1024xi32>
    tpu.vector_store %arg6[%swap3A_105, %swap3A_106, %swap3A_107], %convert_element_type3A_104 {strides = array<i32>} : memref<1x1x1024xi32, #tpu.memory_space<vmem>>, vector<1x1x1024xi32>,
    %dot_general3A_109 = arith.constant dense<0.000000e+00> : vector<1x1024xf32>
    %dot_general3A_110 = tpu.matmul %select_n3A_82, %get3A_10, %dot_general3A_109 {dimension_numbers = #tpu.dot_dimension_numbers<[0], [0], [1], [1], [0, 1, 1, 1], [], []>, transpose_lhs_hint = false} : vector<1024x1xf32>, vector<1024x1024xf32>, vector<1x1024xf32> -> vector<1x1024xf32>
    %reshape3A_111 = vector.shape_cast %dot_general3A_110 : vector<1x1024xf32> to vector<1x1x1024xf32>
    %swap3A_112 = arith.constant 0 : index
    %swap3A_113 = arith.constant 0 : index
    %swap3A_114 = arith.constant 0 : index
    %swap3A_115 = vector.load %arg7[%swap3A_112, %swap3A_113, %swap3A_114] : memref<1x1x1024xf32, #tpu.memory_space<vmem>>, vector<1x1x1024xf32>
    tpu.vector_store %arg7[%swap3A_112, %swap3A_113, %swap3A_114], %reshape3A_111 {strides = array<i32>} : memref<1x1x1024xf32, #tpu.memory_space<vmem>>, vector<1x1x1024xf32>,
    return
  }
  func.func @transform_0(%arg0: i32) -> (i32, i32) {
    %c0_i32 = arith.constant 0 : i32
    %c0_i32_0 = arith.constant 0 : i32
    return %arg0, %c0_i32 : i32, i32
  }
  func.func @transform_1(%arg0: i32) -> (i32, i32) {
    %c0_i32 = arith.constant 0 : i32
    %c0_i32_0 = arith.constant 0 : i32
    %c0_i32_1 = arith.constant 0 : i32
    return %c0_i32, %c0_i32_0 : i32, i32
  }
  func.func @transform_2(%arg0: i32) -> (i32, i32) {
    %c0_i32 = arith.constant 0 : i32
    %c0_i32_0 = arith.constant 0 : i32
    %c0_i32_1 = arith.constant 0 : i32
    return %c0_i32, %c0_i32_0 : i32, i32
  }
  func.func @transform_3(%arg0: i32) -> (i32, i32, i32) {
    %c0_i32 = arith.constant 0 : i32
    %c0_i32_0 = arith.constant 0 : i32
    %c0_i32_1 = arith.constant 0 : i32
    return %arg0, %c0_i32, %c0_i32_0 : i32, i32, i32
  }
  func.func @transform_4(%arg0: i32) -> (i32, i32, i32) {
    %c0_i32 = arith.constant 0 : i32
    %c0_i32_0 = arith.constant 0 : i32
    %c0_i32_1 = arith.constant 0 : i32
    return %arg0, %c0_i32, %c0_i32_0 : i32, i32, i32
  }
  func.func @transform_5(%arg0: i32) -> (i32, i32, i32) {
    %c0_i32 = arith.constant 0 : i32
    %c0_i32_0 = arith.constant 0 : i32
    %c0_i32_1 = arith.constant 0 : i32
    return %arg0, %c0_i32, %c0_i32_0 : i32, i32, i32
  }
  func.func @transform_6(%arg0: i32) -> (i32, i32, i32) {
    %c0_i32 = arith.constant 0 : i32
    %c0_i32_0 = arith.constant 0 : i32
    %c0_i32_1 = arith.constant 0 : i32
    return %arg0, %c0_i32, %c0_i32_0 : i32, i32, i32
  }
}

</mosaic_0001>

<sc_bundles>
// kernel: kernel.4.cloned.1.call-start
scs
__scs_entry_jumppad:
0x0: {  	(pc) =	sbr.rel $0x88, $3  }
0x1: {  	(tag) =	ssettag $0x0;
	lr =	simm.s32 $0x1  }
0x2: {  	[smem:$0x3F9E] =	sst lr;
	_ =	strace $0xD0000000  }
0x3: {  	_ = 	snop  }
0x4: {  	_ = 	snop  }
0x5: {  	_ = 	snop  }
0x6: {  	_ = 	snop  }
0x7: {  	_ = 	snop  }
__scs_overlays_trampoline_lowered:
0x8: {  	[smem:$0x3FAD] =	sst s0  }
0x9: {  	[smem:$0x3FAE] =	sst s1  }
0xa: {  	[smem:$0x3FAF] =	sst s2  }
0xb: {  	[smem:$0x3FB0] =	sst s3  }
0xc: {  	[smem:$0x3FB1] =	sst s4  }
0xd: {  	[smem:$0x3FB2] =	sst s5  }
0xe: {  	[smem:$0x3FB3] =	sst s6  }
0xf: {  	[smem:$0x3FB4] =	sst s7  }
0x10: {  	[smem:$0x3FB5] =	sst s8  }
0x11: {  	[smem:$0x3FB6] =	sst s9;
	s0 =	simm.s32 @!p0 $0x0  }
0x12: {  	s1 =	sld [smem:$0x3F9C];
	s0 =	simm.s32 @p0 $0x1  }
0x13: {  	[smem:$0x3FB7] =	sst s0;
	s0 =	simm.s32 @!p1 $0x0  }
0x14: {  	s2 =	sld [smem:$0x3F9B];
	s0 =	simm.s32 @p1 $0x1  }
0x15: {  	[smem:$0x3FB8] =	sst s0;
	s0 =	simm.s32 @!p2 $0x0  }
0x16: {  	s3 =	sld [smem:$0x3FDB];
	s0 =	simm.s32 @p2 $0x1  }
0x17: {  	s4 =	simm.s32 $0x1BF5;
	[smem:$0x3FBA] =	sst s0  }
0x18: {  	s0 =	sld [smem:$0x3F9D];
	_ =	swait.ge [sflag:s4], $0x0  }
0x19: {  	s7 =	sld [smem:$0x3F9E]  }
0x1a: {  	s8 =	sadd.s32 $0xFFFFE003, lr  }
0x1b: {  	s9 =	sadd.s32 $0xFFFFFEF7, lr;
	s5 =	simm.s32 $0xFFFFFFFF;
	p2 =	slt.u32 s8, $0xFFFFF086  }
0x1c: {  	p1 =	slt.u32 s9, $0xF7A;
	s5 =	simm.s32 @!p2 $0x0  }
0x1d: {  	s5 =	simm.s32 @p1 $0x1;
	p0 =	seq.s32 s7, s2  }
0x1e: {  	s7 =	smul.u32 @!p0 $0xF7A, s2;
	p2 =	seq.s32 @!p0 s5, $0x0  }
0x1f: {  	s9 =	smul.u32 $0xF7A, s1;
	s8 =	simm.s32 @!p0 $0x1BF5;
	p2 =	por !p2, p0  }
0x20: {  	[sflag:s8] =	ssyncset.s32 @!p0 $0xFFFFF086;
	s6 =	sadd.s32 @!p0 s3, s7;
	s7 =	simm.s32 @!p0 $0x108  }
0x21: {  	s3 =	sadd.s32 s3, s9;
	s6 =	sadd.s32 @!p0 $0x88, s6;
	s7 =	simm.s32 @p2 $0x1082  }
0x22: {  	[simem:s7], [sflag:s8] =	dma.local @!p0 [hbm:s6], $0xF7A  }
0x23: {  	s9 =	sor.u32 $0xD0000000, s2;
	s6 =	simm.s32 $0x108;
	_ =	swait.ge @!p0 [sflag:s8], $0x0  }
0x24: {  	s3 =	sadd.s32 $0x88, s3;
	s6 =	simm.s32 @!p1 $0x1082;
	[sflag:s4] =	ssyncset.s32 $0xFFFFF086  }
0x25: {  	[simem:s6], [sflag:s4] =	dma.local [hbm:s3], $0xF7A  }
0x26: {  	[smem:$0x3F9E] =	sst s1;
	(tag) =	ssettag s2;
	_ =	strace s9  }
0x27: {  	s1 =	sld [smem:$0x3FAE]  }
0x28: {  	s2 =	sld [smem:$0x3FAF]  }
0x29: {  	s4 =	sld [smem:$0x3FB1]  }
0x2a: {  	p0 =	seq.s32 s5, $0x0;
	s5 =	sld [smem:$0x3FB2]  }
0x2b: {  	s6 =	sld [smem:$0x3FB3]  }
0x2c: {  	s7 =	sld [smem:$0x3FB4]  }
0x2d: {  	s3 =	simm.s32 $0x108;
	s8 =	sld [smem:$0x3FB5]  }
0x2e: {  	s3 =	simm.s32 @!p0 $0x1082;
	s9 =	sld [smem:$0x3FB6]  }
0x2f: {  	lr =	sadd.s32 s0, s3;
	s0 =	sld [smem:$0x3FAD]  }
0x30: {  	s3 =	sld [smem:$0x3FB0]  }
0x31: {  	[smem:$0x3FB9] =	sst s10  }
0x32: {  	s10 =	sld [smem:$0x3FB7];
	_ =	sdelay $0x3  }
0x33: {  	p0 =	seq.s32 s10, $0x1;
	s10 =	sld [smem:$0x3FB9];
	_ =	sdelay $0x3  }
0x34: {  	[smem:$0x3FB9] =	sst s10  }
0x35: {  	s10 =	sld [smem:$0x3FB8];
	_ =	sdelay $0x3  }
0x36: {  	p1 =	seq.s32 s10, $0x1;
	s10 =	sld [smem:$0x3FB9];
	_ =	sdelay $0x3  }
0x37: {  	[smem:$0x3FB9] =	sst s10  }
0x38: {  	s10 =	sld [smem:$0x3FBA]  }
0x39: {  	_ = 	snop;
	(pc) =	sbr.ind lr, $3  }
0x3a: {  	_ = 	snop  }
0x3b: {  	_ = 	snop  }
0x3c: {  	p2 =	seq.s32 s10, $0x1;
	s10 =	sld [smem:$0x3FB9]  }
0x3d: {  	_ =	shalt  }
0x3e: {  	_ =	shalt  }
0x3f: {  	_ =	shalt  }
0x40: {  	_ =	shalt  }
0x41: {  	_ =	shalt  }
0x42: {  	_ =	shalt  }
0x43: {  	_ =	shalt  }
0x44: {  	_ =	shalt  }
0x45: {  	_ =	shalt  }
0x46: {  	_ =	shalt  }
0x47: {  	_ =	shalt  }
0x48: {  	_ =	shalt  }
0x49: {  	_ =	shalt  }
0x4a: {  	_ =	shalt  }
0x4b: {  	_ =	shalt  }
0x4c: {  	_ =	shalt  }
0x4d: {  	_ =	shalt  }
0x4e: {  	_ =	shalt  }
0x4f: {  	_ =	shalt  }
0x50: {  	_ =	shalt  }
0x51: {  	_ =	shalt  }
0x52: {  	_ =	shalt  }
0x53: {  	_ =	shalt  }
0x54: {  	_ =	shalt  }
0x55: {  	_ =	shalt  }
0x56: {  	_ =	shalt  }
0x57: {  	_ =	shalt  }
0x58: {  	_ =	shalt  }
0x59: {  	_ =	shalt  }
0x5a: {  	_ =	shalt  }
0x5b: {  	_ =	shalt  }
0x5c: {  	_ =	shalt  }
0x5d: {  	_ =	shalt  }
0x5e: {  	_ =	shalt  }
0x5f: {  	_ =	shalt  }
0x60: {  	_ =	shalt  }
0x61: {  	_ =	shalt  }
0x62: {  	_ =	shalt  }
0x63: {  	_ =	shalt  }
0x64: {  	_ =	shalt  }
0x65: {  	_ =	shalt  }
0x66: {  	_ =	shalt  }
0x67: {  	_ =	shalt  }
0x68: {  	_ =	shalt  }
0x69: {  	_ =	shalt  }
0x6a: {  	_ =	shalt  }
0x6b: {  	_ =	shalt  }
0x6c: {  	_ =	shalt  }
0x6d: {  	_ =	shalt  }
0x6e: {  	_ =	shalt  }
0x6f: {  	_ =	shalt  }
0x70: {  	_ =	shalt  }
0x71: {  	_ =	shalt  }
0x72: {  	_ =	shalt  }
0x73: {  	_ =	shalt  }
0x74: {  	_ =	shalt  }
0x75: {  	_ =	shalt  }
0x76: {  	_ =	shalt  }
0x77: {  	_ =	shalt  }
0x78: {  	_ =	shalt  }
0x79: {  	_ =	shalt  }
0x7a: {  	_ =	shalt  }
0x7b: {  	_ =	shalt  }
0x7c: {  	_ =	shalt  }
0x7d: {  	_ =	shalt  }
0x7e: {  	_ =	shalt  }
0x7f: {  	_ =	shalt  }
0x80: {  	_ =	shalt  }
0x81: {  	_ =	shalt  }
0x82: {  	_ =	shalt  }
0x83: {  	_ =	shalt  }
0x84: {  	_ =	shalt  }
0x85: {  	_ =	shalt  }
0x86: {  	_ =	shalt  }
0x87: {  	_ =	shalt  }
.Lfunc_end0:
.L_simem_size_0:
called_computation_lowered:
.L_overlay_start_0:
0x88: {  	s2 =	sld [smem:$0x3FD9]  }
0x89: {  	s3 =	sld [smem:$0x3FFE];
	_ =	sdelay $0x1  }
0x8a: {  	s1 =	srdreg.scid  }
0x8b: {  	s0 =	sand.u32 $0x1, s1  }
0x8c: {  	s17 =	sshll.u32 s0, $0xA;
	s2 =	sadd.s32 s3, s2  }
0x8d: {  	s2 =	sadd.s32 s2, s17  }
0x8e: {  	[smem:$0x3FC5] =	sst s2  }
0x8f: {  	_ = 	snop  }
0x90: {  	s2 =	sld [smem:$0x3FD0];
	(tm) =	ssettm $0x1  }
0x91: {  	s18 =	sld [smem:$0x3FFB];
	_ =	sdelay $0x3  }
0x92: {  	_ =	strace s18  }
0x93: {  	s3 =	sld [smem:$0x3FFC];
	_ =	sdelay $0x3  }
0x94: {  	_ =	strace s3  }
0x95: {  	s3 =	sld [smem:$0x3FFD];
	_ =	sdelay $0x3  }
0x96: {  	_ =	strace s3  }
0x97: {  	_ =	strace $0x8FFFFFFF  }
0x98: {  	s19 =	sld [smem:$0x3FDB];
	_ =	sdelay $0x1  }
0x99: {  	s4 =	simm.s32 $_scs_section_size  }
0x9a: {  	s5 =	simm.s32 $_size__tile_overlayer_lowered;
	s6 =	simm.s32 $_tile_overlayer_lowered  }
0x9b: {  	s22 =	simm.s32 $0x1BFF;
	s21 =	sshll.u32 s6, $0x1;
	s3 =	sadd.s32 s4, s19  }
0x9c: {  	s7 =	simm.s32 $0x0;
	s20 =	sshll.u32 s5, $0x1;
	s5 =	sadd.s32 s21, s3  }
0x9d: {  	[timem:s7], [sflag:s22] =	dma.local [hbm:s5], s20  }
0x9e: {  	_ =	swait.ge [sflag:s22], s20  }
0x9f: {  	s4 =	ssub.s32 $0x0, s20;
	[sflag:s22] =	ssyncset.done $0x0  }
0xa0: {  	[sflag:s22] =	ssyncadd.s32 s4;
	_ =	sdelay $0x1  }
0xa1: {  	s23 =	simm.s32 $0x1B8B  }
0xa2: {  	_ =	swait.ge [sflag:s23], $0x1  }
0xa3: {  	[sflag:s23] =	ssyncset.done $0x0  }
0xa4: {  	s25 =	simm.s32 $0x1B8E;
	s24 =	sld [smem:$0x3FFE];
	[sflag:s23] =	ssyncadd.s32 $0xFFFFFFFF  }
0xa5: {  	s26 =	simm.s32 $execute0_lowered;
	[smem:$0x3FD2] =	sst s25  }
0xa6: {  	s5 =	sshll.u32 s26, $0x1;
	_ =	strace $0x80000046;
	[dreg:$0x1] =	wrdreg $0xFFFFFFFF  }
0xa7: {  	s28 =	simm.s32 $_size_execute0_lowered;
	s3 =	sadd.s32 s3, s5;
	[dreg:$0x0] =	wrdreg $0x0  }
0xa8: {  	s5 =	sshll.u32 s28, $0x1;
	[dreg:$0x2] =	wrdreg s3  }
0xa9: {  	[dreg:$0x3] =	wrdreg s5  }
0xaa: {  	[dreg:$0x4] =	wrdreg $0xC0  }
0xab: {  	_ =	task [dreg:s7], $0x5FFFF  }
0xac: {  	[dreg:$0x1] =	wrdreg $0xFFFFFFFF  }
0xad: {  	[dreg:$0x0] =	wrdreg $0x60  }
0xae: {  	[dreg:$0x2] =	wrdreg s24  }
0xaf: {  	[dreg:$0x3] =	wrdreg s2  }
0xb0: {  	[dreg:$0x4] =	wrdreg $0x9  }
0xb1: {  	_ =	task.clear_ibuf [dreg:s7], $0x5FFFF;
	_ =	strace $0x90000046  }
0xb2: {  	s29 =	simm.s32 $0x9;
	_ =	strace $0x80000048  }
0xb3: {  	_ =	swait.ge [sflag:s29], $0x1  }
0xb4: {  	[sflag:s29] =	ssyncadd.s32 $0xFFFFFFFF  }
0xb5: {  	_ =	strace $0x90000048  }
0xb6: {  	_ =	sfence  }
0xb7: {  	s30 =	sld [smem:$0x0];
	_ =	sdelay $0x2  }
0xb8: {  	s31 =	sshll.u32 s1, $0xD;
	s1 =	sshrl.u32 s1, $0x2  }
0xb9: {  	s3 =	sand.u32 $0x4000, s31;
	s1 =	sadd.s32 s1, s30  }
0xba: {  	s0 =	sor.u32 s3, s0;
	s1 =	sshll.u32 s1, $0x11  }
0xbb: {  	s0 =	sor.u32 s1, s0  }
0xbc: {  	s0 =	sadd.s32 $0x8F2B, s0  }
0xbd: {  	[sflag:s0] =	ssyncadd.remote.s32 $0x1  }
0xbe: {  	_ =	sfence.sel $0xFFFF  }
0xbf: {  	[dreg:$0x0] =	wrdreg $0xFFFFFFFF;
	(pc) =	sbr.abs _section_cstart, $3  }
0xc0: {  	[dreg:$0x1] =	wrdreg $0xFFFFFFFF  }
0xc1: {  	_ =	task.clear_ibuf [dreg:s7], $0x2FFFF;
	_ =	strace $0x9FFFFFFF  }
0xc2: {  	(tm) =	ssettm $0x7FFFFFFF  }
0xc3: {  	_ =	shalt  }
tec
execute0_lowered:
.L_overlay_start_1:
0x0: {  	(tag) =	ssettag $0x1  }
0x1: {  	s1 =	srdreg.scid;
	s0 =	stileid.u32  }
0x2: {  	s3 =	sand.u32 $0x1, s1;
	s30 =	sshll.u32 s0, $0x1  }
0x3: {  	s4 =	sor.u32 s3, s30  }
0x4: {  	s31 =	sshll.u32 s0, $0x5;
	s2 =	sshll.u32 s4, $0x4  }
0x5: {  	s5 =	rddreg [dreg:$0x0];
	s7 =	sand.u32 $0x180, s31;
	s8 =	sand.u32 $0x70, s2  }
0x6: {  	s6 =	rddreg [dreg:$0x1];
	s2 =	simm.s32 $0x0;
	s7 =	sor.u32 s7, s8  }
0x7: {  	[smem:$0x7FF] =	sst s2;
	s12 =	sadd.s32 s7, s5  }
0x8: {  	s1 =	rddreg [dreg:$0x2];
	_ =	strace $0x80000047;
	s7 =	sadd.s32 $0xA00, s12  }
0x9: {  	[tilespmem:s2], [sflag:$0x1] =	stream.linear.gather [hbm4b:s7+s2], $0x80, $0x38;
	[tilespmem:$0x380] =	vst v63  }
0xa: {  	s9 =	simm.s32 $0x100;
	s8 =	sadd.s32 $0xC00, s12  }
0xb: {  	[tilespmem:s9], [sflag:$0x1] =	stream.linear.gather [hbm4b:s8+s2], $0x80, $0x38;
	[tilespmem:$0x380] =	vst v63  }
0xc: {  	s11 =	simm.s32 $0x180;
	s10 =	sadd.s32 $0xE00, s12  }
0xd: {  	[tilespmem:s11], [sflag:$0x1] =	stream.linear.gather [hbm4b:s10+s2], $0x80, $0x38;
	[tilespmem:$0x380] =	vst v63  }
0xe: {  	s13 =	simm.s32 $0x200;
	s14 =	simm.s32 $0x1;
	s12 =	sadd.s32 $0x1000, s12  }
0xf: {  	[tilespmem:s13], [sflag:$0x1] =	stream.linear.gather [hbm4b:s12+s2], $0x80, $0x38;
	[tilespmem:$0x380] =	vst v63  }
0x10: {  	_ =	swait.ge [sflag:s14], $0x80  }
0x11: {  	[sflag:s14] =	ssyncset.done $0x0  }
0x12: {  	[sflag:s14] =	ssyncadd.s32 $0xFFFFFF80  }
0x13: {  	_ =	swait.ge [sflag:s14], $0x80  }
0x14: {  	[sflag:s14] =	ssyncset.done $0x0  }
0x15: {  	[sflag:s14] =	ssyncadd.s32 $0xFFFFFF80  }
0x16: {  	_ =	swait.ge [sflag:s14], $0x80  }
0x17: {  	[sflag:s14] =	ssyncset.done $0x0  }
0x18: {  	[sflag:s14] =	ssyncadd.s32 $0xFFFFFF80  }
0x19: {  	_ =	swait.ge [sflag:s14], $0x80  }
0x1a: {  	[sflag:s14] =	ssyncset.done $0x0  }
0x1b: {  	s15 =	simm.s32 $0x80;
	s16 =	simm.s32 $0x2;
	[sflag:s14] =	ssyncadd.s32 $0xFFFFFF80  }
0x1c: {  	[tilespmem:s15], [sflag:$0x2] =	stream.indirect.gather [hbm4b:s6+s15], $0x1, s2, s15, $0xb8;
	[tilespmem:$0x380] =	vst v63  }
0x1d: {  	_ =	swait.ge [sflag:s16], $0x80  }
0x1e: {  	[sflag:s16] =	ssyncset.done $0x0  }
0x1f: {  	[sflag:s16] =	ssyncadd.s32 $0xFFFFFF80  }
0x20: {  	v3 =	vld [tilespmem:$0xB0]  }
0x21: {  	v0 =	vld [tilespmem:$0x260]  }
0x22: {  	v4 =	vld [tilespmem:$0xE0]  }
0x23: {  	v1 =	vld [tilespmem:$0xD0]  }
0x24: {  	s3 =	ssub.s32 $0x2, s3;
	v6 =	vld [tilespmem:$0x160]  }
0x25: {  	s17 =	sshrl.u32 s3, $0x1;
	v11 =	vld [tilespmem:$0x1E0]  }
0x26: {  	s3 =	ssub.s32 s3, s17;
	v2 =	vld [tilespmem:$0x1D0]  }
0x27: {  	s17 =	smax.u32 s3, $0x1;
	v12 =	vld [tilespmem:$0x150]  }
0x28: {  	p0 =	sne.s32 s17, $0x1;
	v5 =	vld [tilespmem:$0xA0]  }
.Ltmp0:
0x29: {  	v7 =	vld [tilespmem:$0x190];
	(pc) =	sbr.rel @!p0 .LBB2_2-.Ltmp0, $4  }
0x2a: {  	s4 =	sshll.u32 s4, $0x5;
	v8 =	vld [tilespmem:$0x130]  }
0x2b: {  	s4 =	sadd.s32 s4, s5;
	v9 =	vld [tilespmem:$0x1A0]  }
0x2c: {  	s3 =	sadd.s32 $0x1200, s4;
	v10 =	vld [tilespmem:$0x120]  }
0x2d: {  	s4 =	simm.s32 $0x3;
	s5 =	simm.s32 $0x280;
	s17 =	sadd.s32 $0xFFFFFFFF, s17;
	v2 =	vsub.f32 v12, v2;
	v6 =	vsub.f32 v6, v11;
	v11 =	vld [tilespmem:$0x1B0]  }
.LBB2_1:
0x2e: {  	p0 =	sne.s32 s17, $0x1;
	s17 =	sadd.s32 $0xFFFFFFFF, s17;
	v12 =	vld [tilespmem:$0x100]  }
0x2f: {  	v4 =	vadd.f32 v4, v6;
	v13 =	vld [tilespmem:$0x110]  }
0x30: {  	v6 =	vld [tilespmem:$0x180]  }
0x31: {  	v4 =	vmax.f32 v4, $0.0e+00;
	v14 =	vld [tilespmem:$0x90];
	v9 =	vsub.f32 v10, v9  }
0x32: {  	v4 =	vmul.f32 v4, v0;
	v10 =	vld [tilespmem:$0x80];
	v8 =	vsub.f32 v8, v11  }
0x33: {  	v11 =	vld [tilespmem:$0x170]  }
0x34: {  	v5 =	vadd.f32 v5, v9;
	v7 =	vsub.f32 v13, v7;
	v9 =	vld [tilespmem:$0x1C0]  }
0x35: {  	v3 =	vadd.f32 v3, v8;
	v13 =	vld [tilespmem:$0x200];
	v6 =	vsub.f32 v12, v6  }
0x36: {  	v5 =	vmax.f32 v5, $0.0e+00;
	v8 =	vld [tilespmem:$0x210]  }
0x37: {  	v7 =	vadd.f32 v14, v7;
	v3 =	vmax.f32 v3, $0.0e+00;
	v6 =	vadd.f32 v10, v6;
	v10 =	vld [tilespmem:$0x140]  }
0x38: {  	v12 =	vld [tilespmem:$0x220]  }
0x39: {  	v7 =	vmax.f32 v7, $0.0e+00;
	v6 =	vmax.f32 v6, $0.0e+00;
	v14 =	vld [tilespmem:$0xC0]  }
0x3a: {  	v6 =	vmul.f32 v6, v13;
	v13 =	vadd.f32 $0.0e+00, v13;
	v15 =	vld [tilespmem:$0x230]  }
0x3b: {  	v7 =	vmul.f32 v7, v8;
	v16 =	vld [tilespmem:$0x1F0]  }
0x3c: {  	v6 =	vadd.f32 $0.0e+00, v6;
	v17 =	vld [tilespmem:$0x240];
	v9 =	vsub.f32 v10, v9  }
0x3d: {  	v8 =	vadd.f32 v8, v13;
	v5 =	vmul.f32 v5, v12;
	v10 =	vld [tilespmem:$0xF0]  }
0x3e: {  	v6 =	vadd.f32 v7, v6;
	v7 =	vadd.f32 v14, v9  }
0x3f: {  	v8 =	vadd.f32 v12, v8;
	v3 =	vmul.f32 v3, v15;
	v9 =	vld [tilespmem:$0x250]  }
0x40: {  	v5 =	vadd.f32 v5, v6;
	v6 =	vmax.f32 v7, $0.0e+00;
	v7 =	vsub.f32 v11, v16  }
0x41: {  	v1 =	vadd.f32 v1, v2;
	v8 =	vadd.f32 v15, v8;
	v6 =	vmul.f32 v6, v17  }
0x42: {  	v2 =	vadd.f32 v3, v5;
	v3 =	vadd.f32 v10, v7  }
0x43: {  	v1 =	vmax.f32 v1, $0.0e+00;
	v5 =	vadd.f32 v17, v8;
	v7 =	vld [tilespmem:$0x270]  }
0x44: {  	v2 =	vadd.f32 v6, v2;
	v1 =	vmul.f32 v1, v9  }
0x45: {  	v5 =	vadd.f32 v9, v5  }
0x46: {  	v1 =	vadd.f32 v1, v2  }
0x47: {  	v0 =	vadd.f32 v0, v5;
	v2 =	vmax.f32 v3, $0.0e+00  }
0x48: {  	v1 =	vadd.f32 v4, v1;
	v2 =	vmul.f32 v2, v7  }
0x49: {  	v0 =	vadd.f32 v7, v0  }
0x4a: {  	v1 =	vadd.f32 v2, v1  }
0x4b: {  	[tilespmem:$0x300] =	vst v0  }
0x4c: {  	[tilespmem:$0x280] =	vst v1  }
0x4d: {  	[hbm4b:s3+s2] =	stream.linear.scatter [tilespmem:s5], [sflag:$0x3], $0x100, $0x38;
	[tilespmem:$0x380] =	vst v63  }
0x4e: {  	_ =	swait.ge [sflag:s4], $0x100  }
0x4f: {  	[sflag:s4] =	ssyncset.done $0x0  }
0x50: {  	[sflag:s4] =	ssyncadd.s32 $0xFFFFFF00  }
0x51: {  	[tilespmem:s2], [sflag:$0x1] =	stream.linear.gather [hbm4b:s7+s2], $0x80, $0x38;
	[tilespmem:$0x380] =	vst v63  }
0x52: {  	_ = 	snop  }
0x53: {  	[tilespmem:s9], [sflag:$0x1] =	stream.linear.gather [hbm4b:s8+s2], $0x80, $0x38;
	[tilespmem:$0x380] =	vst v63  }
0x54: {  	_ = 	snop  }
0x55: {  	[tilespmem:s11], [sflag:$0x1] =	stream.linear.gather [hbm4b:s10+s2], $0x80, $0x38;
	[tilespmem:$0x380] =	vst v63  }
0x56: {  	_ = 	snop  }
0x57: {  	[tilespmem:s13], [sflag:$0x1] =	stream.linear.gather [hbm4b:s12+s2], $0x80, $0x38;
	[tilespmem:$0x380] =	vst v63  }
0x58: {  	_ =	swait.ge [sflag:s14], $0x80  }
0x59: {  	[sflag:s14] =	ssyncset.done $0x0  }
0x5a: {  	[sflag:s14] =	ssyncadd.s32 $0xFFFFFF80  }
0x5b: {  	_ =	swait.ge [sflag:s14], $0x80  }
0x5c: {  	[sflag:s14] =	ssyncset.done $0x0  }
0x5d: {  	[sflag:s14] =	ssyncadd.s32 $0xFFFFFF80  }
0x5e: {  	_ =	swait.ge [sflag:s14], $0x80  }
0x5f: {  	[sflag:s14] =	ssyncset.done $0x0  }
0x60: {  	[sflag:s14] =	ssyncadd.s32 $0xFFFFFF80  }
0x61: {  	_ =	swait.ge [sflag:s14], $0x80  }
0x62: {  	[sflag:s14] =	ssyncset.done $0x0  }
0x63: {  	[sflag:s14] =	ssyncadd.s32 $0xFFFFFF80  }
0x64: {  	[tilespmem:s15], [sflag:$0x2] =	stream.indirect.gather [hbm4b:s6+s15], $0x1, s2, s15, $0xb8;
	[tilespmem:$0x380] =	vst v63  }
0x65: {  	_ =	swait.ge [sflag:s16], $0x80  }
0x66: {  	[sflag:s16] =	ssyncset.done $0x0  }
0x67: {  	[sflag:s16] =	ssyncadd.s32 $0xFFFFFF80  }
0x68: {  	v3 =	vld [tilespmem:$0xB0]  }
0x69: {  	v0 =	vld [tilespmem:$0x260]  }
0x6a: {  	v4 =	vld [tilespmem:$0xE0]  }
0x6b: {  	v1 =	vld [tilespmem:$0xD0]  }
0x6c: {  	v6 =	vld [tilespmem:$0x160]  }
0x6d: {  	v11 =	vld [tilespmem:$0x1E0]  }
0x6e: {  	v2 =	vld [tilespmem:$0x1D0]  }
0x6f: {  	v12 =	vld [tilespmem:$0x150]  }
0x70: {  	v5 =	vld [tilespmem:$0xA0]  }
.Ltmp1:
0x71: {  	v7 =	vld [tilespmem:$0x190];
	(pc) =	sbr.rel @p0 .LBB2_1-.Ltmp1, $4  }
0x72: {  	v8 =	vld [tilespmem:$0x130]  }
0x73: {  	v9 =	vld [tilespmem:$0x1A0]  }
0x74: {  	v6 =	vsub.f32 v6, v11;
	v10 =	vld [tilespmem:$0x120];
	v2 =	vsub.f32 v12, v2  }
0x75: {  	v11 =	vld [tilespmem:$0x1B0]  }
.LBB2_2:
0x76: {  	v12 =	vld [tilespmem:$0x100]  }
0x77: {  	v13 =	vld [tilespmem:$0x180]  }
0x78: {  	v14 =	vld [tilespmem:$0x110]  }
0x79: {  	v15 =	vld [tilespmem:$0x80]  }
0x7a: {  	v16 =	vld [tilespmem:$0x90]  }
0x7b: {  	v17 =	vld [tilespmem:$0x200]  }
0x7c: {  	v38 =	vld [tilespmem:$0x1C0];
	v12 =	vsub.f32 v12, v13  }
0x7d: {  	v39 =	vld [tilespmem:$0x210]  }
0x7e: {  	v40 =	vld [tilespmem:$0x140];
	v7 =	vsub.f32 v14, v7;
	v12 =	vadd.f32 v15, v12;
	_ =	sdelay $0x1  }
0x7f: {  	v41 =	vld [tilespmem:$0x220];
	v9 =	vsub.f32 v10, v9;
	v7 =	vadd.f32 v16, v7;
	v12 =	vmax.f32 v12, $0.0e+00  }
0x80: {  	v42 =	vld [tilespmem:$0xC0];
	v8 =	vsub.f32 v8, v11;
	v12 =	vmul.f32 v12, v17  }
0x81: {  	v44 =	vld [tilespmem:$0x230];
	v5 =	vadd.f32 v5, v9;
	v43 =	vadd.f32 $0.0e+00, v17;
	v7 =	vmax.f32 v7, $0.0e+00  }
0x82: {  	v45 =	vld [tilespmem:$0x170];
	v13 =	vsub.f32 v40, v38;
	v7 =	vmul.f32 v7, v39;
	v46 =	vadd.f32 $0.0e+00, v12  }
0x83: {  	v47 =	vld [tilespmem:$0x240];
	v3 =	vadd.f32 v3, v8;
	v5 =	vmax.f32 v5, $0.0e+00;
	v9 =	vadd.f32 v39, v43  }
0x84: {  	v48 =	vld [tilespmem:$0x1F0];
	v5 =	vmul.f32 v5, v41;
	v7 =	vadd.f32 v7, v46  }
0x85: {  	v50 =	vld [tilespmem:$0x250];
	v49 =	vadd.f32 v42, v13;
	v3 =	vmax.f32 v3, $0.0e+00;
	v9 =	vadd.f32 v41, v9  }
0x86: {  	v51 =	vld [tilespmem:$0xF0];
	v3 =	vmul.f32 v3, v44;
	v5 =	vadd.f32 v5, v7  }
0x87: {  	v1 =	vadd.f32 v1, v2;
	v52 =	vmax.f32 v49, $0.0e+00;
	v53 =	vadd.f32 v44, v9  }
0x88: {  	v54 =	vadd.f32 v4, v6;
	v55 =	vmul.f32 v52, v47;
	v3 =	vadd.f32 v3, v5  }
0x89: {  	v58 =	vld [tilespmem:$0x270];
	v1 =	vmax.f32 v1, $0.0e+00;
	v56 =	vsub.f32 v45, v48;
	v57 =	vadd.f32 v47, v53  }
0x8a: {  	v1 =	vmul.f32 v1, v50;
	v3 =	vadd.f32 v55, v3  }
0x8b: {  	v2 =	vmax.f32 v54, $0.0e+00;
	v59 =	vadd.f32 v51, v56;
	v60 =	vadd.f32 v50, v57  }
0x8c: {  	v2 =	vmul.f32 v2, v0;
	v1 =	vadd.f32 v1, v3  }
0x8d: {  	v62 =	vmax.f32 v59, $0.0e+00;
	v61 =	vadd.f32 v0, v60  }
0x8e: {  	v63 =	vmul.f32 v62, v58;
	v1 =	vadd.f32 v2, v1  }
0x8f: {  	v0 =	vadd.f32 v58, v61  }
0x90: {  	v1 =	vadd.f32 v63, v1  }
0x91: {  	[tilespmem:$0x300] =	vst v0  }
0x92: {  	[tilespmem:$0x280] =	vst v1  }
0x93: {  	[hbm4b:s3+s2] =	stream.linear.scatter [tilespmem:s5], [sflag:$0x3], $0x100, $0x38;
	[tilespmem:$0x380] =	vst v63  }
0x94: {  	_ =	swait.ge [sflag:s4], $0x100  }
0x95: {  	[sflag:s4] =	ssyncset.done $0x0  }
0x96: {  	[sflag:s4] =	ssyncadd.s32 $0xFFFFFF00  }
0x97: {  	_ =	sfence.sel $0x180000  }
0x98: {  	[bflag:$0x0] =	sbarrier.arrive $0xFFFF  }
0x99: {  	p0 =	sne.s32 s0, $0x0;
	_ =	strace $0x90000047  }
0x9a: {  	s0 =	sadd.s32 @!p0 $0x100000, s1;
	[bflag:$0x2] =	sbarrier.arrive $0xFFFF  }
0x9b: {  	[sflag:s0] =	ssyncadd.tile.s32 @!p0 $0x1;
	_ =	shalt  }
.Lfunc_end2:
_tile_overlayer_lowered:
.L_overlay_start_2:
0x9c: {  	(tag) =	ssettag $0x2  }
0x9d: {  	s0 =	rddreg [dreg:$0x0];
	s2 =	stileid.u32  }
0x9e: {  	s1 =	rddreg [dreg:$0x1];
	p0 =	sne.s32 s2, $0x0  }
0x9f: {  	s3 =	rddreg [dreg:$0x2];
	[bflag:$0x3] =	sbarrier.arrive $0xFFFF;
	s2 =	simm.s32 @!p0 $0x1C03  }
0xa0: {  	[timem:s3], [sflag:s2] =	dma.local @!p0 [hbm:s0], s1  }
0xa1: {  	s0 =	simm.s32 @!p0 $0x3  }
0xa2: {  	_ =	swait.ge @!p0 [sflag:s0], s1  }
0xa3: {  	s1 =	ssub.s32 @!p0 $0x0, s1;
	[sflag:s0] =	ssyncset.done @!p0 $0x0  }
0xa4: {  	[sflag:s0] =	ssyncadd.s32 @!p0 s1  }
0xa5: {  	[bflag:$0x3] =	sbarrier.arrive $0xFFFF  }
0xa6: {  	_ =	shalt  }

</sc_bundles>
